<compile_context>
chip_gen: v7x
topology: tpu7x:2x2x1
jax: 0.10.2.dev20260603
libtpu: 0.0.44.dev20260713+nightly
codegen_flags: <defaults>
</compile_context>

<pallas_src>
import functools

import jax
import jax.numpy as jnp
from jax import lax
from jax.experimental import pallas as pl
from jax.experimental.pallas import tpu as pltpu
from jax.experimental.pallas import tpu_sc as plsc

N = 10000
D = 128
E = 320000
FF = 2 * D

C = 125
R = E // C
NC = 2
NS = 16
NW = NC * NS
RPT = R // NW
NP = 10240
NPT = NP // NS
G = 4
NG = RPT // G


def _sc_segment_sum(x, ei3):
    z128 = jnp.zeros((NPT, D), jnp.bfloat16)
    z16 = jnp.zeros((NPT, 16), jnp.float32)
    ones_c = jnp.ones((C, 16), jnp.float32)

    mesh = plsc.VectorSubcoreMesh(core_axis_name="c", subcore_axis_name="s")

    @functools.partial(
        pl.kernel,
        mesh=mesh,
        out_type=(
            jax.ShapeDtypeStruct((NC, NP, D), jnp.bfloat16),
            jax.ShapeDtypeStruct((NC, NP, 16), jnp.float32),
        ),
        scratch_types=[
            pltpu.VMEM((2, G, C), jnp.int32),
            pltpu.VMEM((2, G, C), jnp.int32),
            pltpu.VMEM((2, G * C, D), jnp.bfloat16),
            pltpu.VMEM((C, 16), jnp.float32),
            pltpu.VMEM_SHARED((NP, D), jnp.bfloat16),
            pltpu.VMEM_SHARED((NP, 16), jnp.float32),
            pltpu.SemaphoreType.DMA,
            pltpu.SemaphoreType.DMA,
            pltpu.SemaphoreType.DMA,
            pltpu.SemaphoreType.DMA,
            pltpu.SemaphoreType.DMA,
        ],
        compiler_params=pltpu.CompilerParams(use_tc_tiling_on_sc=False),
    )
    def sc_kernel(x_hbm, ei_hbm, z128_hbm, z16_hbm, ones_hbm,
                  out_agg, out_deg, sidx, didx, buf_v, ones_v,
                  agg_sh, deg_sh, gsem, ssem, dsem, xssem, xdsem):
        src_hbm = ei_hbm.at[0]
        dst_hbm = ei_hbm.at[1]
        cid = lax.axis_index("c")
        sid = lax.axis_index("s")
        wid = sid * NC + cid
        base = wid * RPT

        pltpu.sync_copy(ones_hbm, ones_v)
        nbase = sid * NPT
        pltpu.sync_copy(z128_hbm, agg_sh.at[pl.ds(nbase, NPT)])
        pltpu.sync_copy(z16_hbm, deg_sh.at[pl.ds(nbase, NPT)])

        dummy_rows = x_hbm.at[pl.ds(0, G * C)]
        dummy_ones = z16_hbm.at[pl.ds(0, C)]
        dummy_idx = src_hbm.at[pl.ds(0, G)]

        def src_blk(g):
            return src_hbm.at[pl.ds(base + g * G, G)]

        def dst_blk(g):
            return dst_hbm.at[pl.ds(base + g * G, G)]

        def fire_gathers(slot, dst_buf):
            for b in range(G):
                pltpu.async_copy(x_hbm.at[sidx.at[slot].at[b]],
                                 dst_buf.at[pl.ds(b * C, C)], gsem)

        def fire_scatters(slot, src_buf):
            for b in range(G):
                pltpu.async_copy(src_buf.at[pl.ds(b * C, C)],
                                 agg_sh.at[didx.at[slot].at[b]], ssem,
                                 add=True)
            for b in range(G):
                pltpu.async_copy(ones_v, deg_sh.at[didx.at[slot].at[b]],
                                 dsem, add=True)

        def drain_scatters():
            pltpu.make_async_copy(dummy_rows, buf_v.at[0], ssem).wait()
            for _b in range(G):
                pltpu.make_async_copy(dummy_ones, ones_v, dsem).wait()

        pltpu.sync_copy(src_blk(0), sidx.at[0])
        pltpu.sync_copy(dst_blk(0), didx.at[0])
        if NG > 1:
            pltpu.async_copy(src_blk(1), sidx.at[1], xssem)
            pltpu.async_copy(dst_blk(1), didx.at[1], xdsem)
        plsc.subcore_barrier()
        fire_gathers(0, buf_v.at[0])

        def group_body(g, carry):
            p = lax.rem(g, 2)
            cur = buf_v.at[p]
            nxt = buf_v.at[1 - p]
            pltpu.make_async_copy(dummy_rows, cur, gsem).wait()

            @pl.when(g >= 1)
            def _():
                drain_scatters()

                @pl.when(g + 1 < NG)
                def _():
                    pltpu.async_copy(dst_blk(g + 1), didx.at[1 - p], xdsem)

            @pl.when(g + 1 < NG)
            def _():
                pltpu.make_async_copy(dummy_idx, sidx.at[0], xssem).wait()

                @pl.when(g + 2 < NG)
                def _():
                    pltpu.async_copy(src_blk(g + 2), sidx.at[p], xssem)

                fire_gathers(1 - p, nxt)

            @pl.when(g >= 1)
            def _():
                pltpu.make_async_copy(dummy_idx, didx.at[0], xdsem).wait()

            fire_scatters(p, cur)
            return carry

        lax.fori_loop(0, NG, group_body, 0)
        drain_scatters()
        plsc.subcore_barrier()

        pltpu.sync_copy(agg_sh.at[pl.ds(nbase, NPT)],
                        out_agg.at[cid, pl.ds(nbase, NPT)])
        pltpu.sync_copy(deg_sh.at[pl.ds(nbase, NPT)],
                        out_deg.at[cid, pl.ds(nbase, NPT)])

    return sc_kernel(x, ei3, z128, z16, ones_c)


def _ln(h, g, b, eps=1e-5):
    mu = jnp.mean(h, axis=-1, keepdims=True)
    var = jnp.mean((h - mu) ** 2, axis=-1, keepdims=True)
    return (h - mu) * lax.rsqrt(var + eps) * g + b


BN = 2000


def _tc_body(pagg, pdeg, x, Wm, bm, g1, b1, g2, b2, W1, bf1, W2, bf2, g3, b3,
             out):
    agg = pagg[0].astype(jnp.float32) + pagg[1].astype(jnp.float32)
    deg = pdeg[0, :, 0:1] + pdeg[1, :, 0:1]
    agg = agg / jnp.maximum(deg, 1.0)
    h = jnp.dot(agg, Wm[...], preferred_element_type=jnp.float32) + bm[...]
    h = _ln(h, g1[...], b1[...])
    h = jnp.maximum(h, 0.0) + x[...]
    res = h
    h2 = _ln(h, g2[...], b2[...])
    h2 = jnp.maximum(
        jnp.dot(h2, W1[...], preferred_element_type=jnp.float32) + bf1[...],
        0.0)
    h2 = jnp.dot(h2, W2[...], preferred_element_type=jnp.float32) + bf2[...]
    out[...] = _ln(h2 + res, g3[...], b3[...])


def _tc_dense(pagg, pdeg, x, Wm, bm, g1, b1, g2, b2, W1, bf1, W2, bf2, g3, b3):
    full = lambda shape: pl.BlockSpec(shape, lambda i: (0,) * len(shape))
    return pl.pallas_call(
        _tc_body,
        out_shape=jax.ShapeDtypeStruct((N, D), jnp.float32),
        grid=(N // BN,),
        in_specs=[
            pl.BlockSpec((NC, BN, D), lambda i: (0, i, 0)),
            pl.BlockSpec((NC, BN, 16), lambda i: (0, i, 0)),
            pl.BlockSpec((BN, D), lambda i: (i, 0)),
            full((D, D)), full((1, D)),
            full((1, D)), full((1, D)), full((1, D)), full((1, D)),
            full((D, FF)), full((1, FF)),
            full((FF, D)), full((1, D)),
            full((1, D)), full((1, D)),
        ],
        out_specs=pl.BlockSpec((BN, D), lambda i: (i, 0)),
    )(pagg, pdeg, x, Wm, bm, g1, b1, g2, b2, W1, bf1, W2, bf2, g3, b3)


def kernel(x, edge_index, W_mpnn, b_mpnn, ln1_g, ln1_b, ln2_g, ln2_b,
           W_ffn1, b_ffn1, W_ffn2, b_ffn2, ln3_g, ln3_b):
    ei3 = edge_index.reshape(2, R, C)
    pagg, pdeg = _sc_segment_sum(x.astype(jnp.bfloat16), ei3)
    r = lambda v: v.reshape(1, -1)
    return _tc_dense(pagg, pdeg, x, W_mpnn, r(b_mpnn), r(ln1_g), r(ln1_b),
                     r(ln2_g), r(ln2_b), W_ffn1, r(b_ffn1), W_ffn2, r(b_ffn2),
                     r(ln3_g), r(ln3_b))

# --- scband reference (transcript-rebuilt; emitter-appended) ---
"""Pipeline reference for scband-gnnblock-layer-36721970380855 (READ-ONLY COPY).

The authoritative reference and input builder live on the scoring server;
editing this copy changes nothing except your own understanding.
"""

import jax, jax.numpy as jnp
import numpy as np

N = 10000
D = 128
E = 320000
FF = 2 * D


def layer_norm(h, g, b, eps=1e-5):
    mu = jnp.mean(h, axis=-1, keepdims=True)
    var = jnp.mean((h - mu) ** 2, axis=-1, keepdims=True)
    return (h - mu) / jnp.sqrt(var + eps) * g + b


def setup_inputs(seed: int = 0) -> dict:
    key = jax.random.key(seed)
    ks = jax.random.split(key, 16)
    x = jax.random.normal(ks[0], (N, D), dtype=jnp.float32)
    edge_index = jax.random.randint(ks[1], (2, E), 0, N, dtype=jnp.int32)
    s = 1.0 / np.sqrt(D)
    W_mpnn = jax.random.normal(ks[2], (D, D), dtype=jnp.float32) * s
    b_mpnn = jnp.zeros((D,), dtype=jnp.float32)
    ln1_g = jnp.ones((D,), dtype=jnp.float32)
    ln1_b = jnp.zeros((D,), dtype=jnp.float32)
    ln2_g = jnp.ones((D,), dtype=jnp.float32)
    ln2_b = jnp.zeros((D,), dtype=jnp.float32)
    W_ffn1 = jax.random.normal(ks[3], (D, FF), dtype=jnp.float32) * s
    b_ffn1 = jnp.zeros((FF,), dtype=jnp.float32)
    W_ffn2 = jax.random.normal(ks[4], (FF, D), dtype=jnp.float32) * (1.0 / np.sqrt(FF))
    b_ffn2 = jnp.zeros((D,), dtype=jnp.float32)
    ln3_g = jnp.ones((D,), dtype=jnp.float32)
    ln3_b = jnp.zeros((D,), dtype=jnp.float32)
    return {"x": x, "edge_index": edge_index, "W_mpnn": W_mpnn, "b_mpnn": b_mpnn,
            "ln1_g": ln1_g, "ln1_b": ln1_b, "ln2_g": ln2_g, "ln2_b": ln2_b,
            "W_ffn1": W_ffn1, "b_ffn1": b_ffn1, "W_ffn2": W_ffn2, "b_ffn2": b_ffn2,
            "ln3_g": ln3_g, "ln3_b": ln3_b}


def reference(x, edge_index, W_mpnn, b_mpnn, ln1_g, ln1_b, ln2_g, ln2_b,
              W_ffn1, b_ffn1, W_ffn2, b_ffn2, ln3_g, ln3_b):
    src = edge_index[0]
    dst = edge_index[1]
    # MPNN (GCN-style mean aggregation + linear)
    msg = jnp.take(x, src, axis=0)
    agg = jax.ops.segment_sum(msg, dst, num_segments=N)
    deg = jax.ops.segment_sum(jnp.ones((E,), dtype=x.dtype), dst, num_segments=N)
    agg = agg / jnp.clip(deg, 1.0)[:, None]
    h = agg @ W_mpnn + b_mpnn
    # norm -> act -> (dropout p=0) -> residual
    h = layer_norm(h, ln1_g, ln1_b)
    h = jax.nn.relu(h)
    h = h + x
    # FFN block with pre/post norm and residual
    res = h
    h2 = layer_norm(h, ln2_g, ln2_b)
    h2 = jax.nn.relu(h2 @ W_ffn1 + b_ffn1) @ W_ffn2 + b_ffn2
    h = h2 + res
    h = layer_norm(h, ln3_g, ln3_b)
    return h

if __name__ == "__main__":
    import jax
    _d = setup_inputs()
    print(jax.jit(kernel)(*tuple(_d.values())))

</pallas_src>

<mosaic_0001>
#map = affine_map<(d0, d1) -> (0, 0)>
#map1 = affine_map<(d0, d1) -> (0, 0, 0)>
module attributes {stable_mosaic.version = 14 : i64} {
  func.func @sc_kernel(%arg0: i32, %arg1: i32, %arg2: memref<10000x128xbf16, #tpu.memory_space<hbm>>, %arg3: memref<2x2560x125xi32, #tpu.memory_space<hbm>>, %arg4: memref<640x128xbf16, #tpu.memory_space<hbm>>, %arg5: memref<640x16xf32, #tpu.memory_space<hbm>>, %arg6: memref<125x16xf32, #tpu.memory_space<hbm>>, %arg7: memref<2x10240x128xbf16, #tpu.memory_space<hbm>>, %arg8: memref<2x10240x16xf32, #tpu.memory_space<hbm>>, %arg9: memref<2x4x125xi32, #tpu.memory_space<vmem>>, %arg10: memref<2x4x125xi32, #tpu.memory_space<vmem>>, %arg11: memref<2x500x128xbf16, #tpu.memory_space<vmem>>, %arg12: memref<125x16xf32, #tpu.memory_space<vmem>>, %arg13: memref<10240x128xbf16, #tpu.memory_space<vmem_shared>>, %arg14: memref<10240x16xf32, #tpu.memory_space<vmem_shared>>, %arg15: memref<!tpu.dma_semaphore, #tpu.memory_space<semaphore_mem>>, %arg16: memref<!tpu.dma_semaphore, #tpu.memory_space<semaphore_mem>>, %arg17: memref<!tpu.dma_semaphore, #tpu.memory_space<semaphore_mem>>, %arg18: memref<!tpu.dma_semaphore, #tpu.memory_space<semaphore_mem>>, %arg19: memref<!tpu.dma_semaphore, #tpu.memory_space<semaphore_mem>>) attributes {dimension_semantics = [#tpu.dimension_semantics<core_parallel>, #tpu.dimension_semantics<subcore_parallel>], iteration_bounds = array<i64: 2, 16>, scalar_prefetch = 0 : i64, scratch_operands = 11 : i64, tpu.core_type = #tpu.core_type<sc_vector_subcore>, window_params = [{transform_indices = #map}, {transform_indices = #map1}, {transform_indices = #map}, {transform_indices = #map}, {transform_indices = #map}, {transform_indices = #map1}, {transform_indices = #map1}]} {
    %mul3A = arith.constant 2 : i32
    %mul3A_0 = arith.muli %arg1, %mul3A : i32
    %add3A = arith.addi %mul3A_0, %arg0 : i32
    %mul3A_1 = arith.constant 80 : i32
    %mul3A_2 = arith.muli %add3A, %mul3A_1 : i32
    "tpu.region"() ({
      %run_scoped3A_185 = tpu.sem_alloc : memref<!tpu.dma_semaphore, #tpu.memory_space<semaphore_mem>>
      tpu.enqueue_dma source(%arg6 : memref<125x16xf32, #tpu.memory_space<hbm>>) target(%arg12 : memref<125x16xf32, #tpu.memory_space<vmem>>) target_semaphore(%run_scoped3A_185 : memref<!tpu.dma_semaphore, #tpu.memory_space<semaphore_mem>>)
      tpu.wait_dma2 semaphore(%run_scoped3A_185 : memref<!tpu.dma_semaphore, #tpu.memory_space<semaphore_mem>>) src(%arg6 : memref<125x16xf32, #tpu.memory_space<hbm>>) dst(%arg12 : memref<125x16xf32, #tpu.memory_space<vmem>>)
      tpu.yield
    }) : () -> ()
    %mul3A_3 = arith.constant 640 : i32
    %mul3A_4 = arith.muli %arg1, %mul3A_3 : i32
    "tpu.region"() ({
      %run_scoped3A_185 = tpu.sem_alloc : memref<!tpu.dma_semaphore, #tpu.memory_space<semaphore_mem>>
      %dma_start3A_186 = arith.constant 0 : i32
      %dma_start3A_187 = tpu.memref_slice %arg13[%mul3A_4, %dma_start3A_186] : memref<10240x128xbf16, #tpu.memory_space<vmem_shared>> -> memref<640x128xbf16, #tpu.memory_space<vmem_shared>>
      tpu.enqueue_dma source(%arg4 : memref<640x128xbf16, #tpu.memory_space<hbm>>) target(%dma_start3A_187 : memref<640x128xbf16, #tpu.memory_space<vmem_shared>>) target_semaphore(%run_scoped3A_185 : memref<!tpu.dma_semaphore, #tpu.memory_space<semaphore_mem>>)
      %dma_wait3A_188 = arith.constant 0 : i32
      %dma_wait3A_189 = tpu.memref_slice %arg13[%mul3A_4, %dma_wait3A_188] : memref<10240x128xbf16, #tpu.memory_space<vmem_shared>> -> memref<640x128xbf16, #tpu.memory_space<vmem_shared>>
      tpu.wait_dma2 semaphore(%run_scoped3A_185 : memref<!tpu.dma_semaphore, #tpu.memory_space<semaphore_mem>>) src(%arg4 : memref<640x128xbf16, #tpu.memory_space<hbm>>) dst(%dma_wait3A_189 : memref<640x128xbf16, #tpu.memory_space<vmem_shared>>)
      tpu.yield
    }) : () -> ()
    "tpu.region"() ({
      %run_scoped3A_185 = tpu.sem_alloc : memref<!tpu.dma_semaphore, #tpu.memory_space<semaphore_mem>>
      %dma_start3A_186 = arith.constant 0 : i32
      %dma_start3A_187 = tpu.memref_slice %arg14[%mul3A_4, %dma_start3A_186] : memref<10240x16xf32, #tpu.memory_space<vmem_shared>> -> memref<640x16xf32, #tpu.memory_space<vmem_shared>>
      tpu.enqueue_dma source(%arg5 : memref<640x16xf32, #tpu.memory_space<hbm>>) target(%dma_start3A_187 : memref<640x16xf32, #tpu.memory_space<vmem_shared>>) target_semaphore(%run_scoped3A_185 : memref<!tpu.dma_semaphore, #tpu.memory_space<semaphore_mem>>)
      %dma_wait3A_188 = arith.constant 0 : i32
      %dma_wait3A_189 = tpu.memref_slice %arg14[%mul3A_4, %dma_wait3A_188] : memref<10240x16xf32, #tpu.memory_space<vmem_shared>> -> memref<640x16xf32, #tpu.memory_space<vmem_shared>>
      tpu.wait_dma2 semaphore(%run_scoped3A_185 : memref<!tpu.dma_semaphore, #tpu.memory_space<semaphore_mem>>) src(%arg5 : memref<640x16xf32, #tpu.memory_space<hbm>>) dst(%dma_wait3A_189 : memref<640x16xf32, #tpu.memory_space<vmem_shared>>)
      tpu.yield
    }) : () -> ()
    %add3A_5 = arith.constant 0 : i32
    %add3A_6 = arith.addi %mul3A_2, %add3A_5 : i32
    %run_scoped3A = arith.constant 0 : i32
    %run_scoped3A_7 = arith.constant 0 : i32
    "tpu.region"() ({
      %run_scoped3A_185 = tpu.sem_alloc : memref<!tpu.dma_semaphore, #tpu.memory_space<semaphore_mem>>
      %dma_start3A_186 = arith.constant 0 : i32
      %dma_start3A_187 = arith.constant 0 : i32
      %dma_start3A_188 = tpu.memref_slice %arg9[%run_scoped3A_7, %dma_start3A_186, %dma_start3A_187] : memref<2x4x125xi32, #tpu.memory_space<vmem>> -> memref<1x4x125xi32, #tpu.memory_space<vmem>>
      %dma_start3A_189 = tpu.memref_squeeze %dma_start3A_188 : memref<1x4x125xi32, #tpu.memory_space<vmem>> -> memref<4x125xi32, #tpu.memory_space<vmem>>
      %dma_start3A_190 = arith.constant 0 : i32
      %dma_start3A_191 = arith.constant 0 : i32
      %dma_start3A_192 = tpu.memref_slice %arg3[%run_scoped3A, %dma_start3A_190, %dma_start3A_191] : memref<2x2560x125xi32, #tpu.memory_space<hbm>> -> memref<1x2560x125xi32, #tpu.memory_space<hbm>>
      %dma_start3A_193 = tpu.memref_squeeze %dma_start3A_192 : memref<1x2560x125xi32, #tpu.memory_space<hbm>> -> memref<2560x125xi32, #tpu.memory_space<hbm>>
      %dma_start3A_194 = arith.constant 0 : i32
      %dma_start3A_195 = tpu.memref_slice %dma_start3A_193[%add3A_6, %dma_start3A_194] : memref<2560x125xi32, #tpu.memory_space<hbm>> -> memref<4x125xi32, #tpu.memory_space<hbm>>
      %dma_start3A_196 = arith.constant 0 : i32
      %dma_start3A_197 = arith.constant 0 : i32
      %dma_start3A_198 = tpu.memref_slice %arg9[%run_scoped3A_7, %dma_start3A_196, %dma_start3A_197] : memref<2x4x125xi32, #tpu.memory_space<vmem>> -> memref<1x4x125xi32, #tpu.memory_space<vmem>>
      %dma_start3A_199 = tpu.memref_squeeze %dma_start3A_198 : memref<1x4x125xi32, #tpu.memory_space<vmem>> -> memref<4x125xi32, #tpu.memory_space<vmem>>
      %dma_start3A_200 = arith.constant 0 : i32
      %dma_start3A_201 = arith.constant 0 : i32
      %dma_start3A_202 = tpu.memref_slice %arg3[%run_scoped3A, %dma_start3A_200, %dma_start3A_201] : memref<2x2560x125xi32, #tpu.memory_space<hbm>> -> memref<1x2560x125xi32, #tpu.memory_space<hbm>>
      %dma_start3A_203 = tpu.memref_squeeze %dma_start3A_202 : memref<1x2560x125xi32, #tpu.memory_space<hbm>> -> memref<2560x125xi32, #tpu.memory_space<hbm>>
      %dma_start3A_204 = arith.constant 0 : i32
      %dma_start3A_205 = tpu.memref_slice %dma_start3A_203[%add3A_6, %dma_start3A_204] : memref<2560x125xi32, #tpu.memory_space<hbm>> -> memref<4x125xi32, #tpu.memory_space<hbm>>
      tpu.enqueue_dma source(%dma_start3A_205 : memref<4x125xi32, #tpu.memory_space<hbm>>) target(%dma_start3A_199 : memref<4x125xi32, #tpu.memory_space<vmem>>) target_semaphore(%run_scoped3A_185 : memref<!tpu.dma_semaphore, #tpu.memory_space<semaphore_mem>>)
      %dma_wait3A_206 = arith.constant 0 : i32
      %dma_wait3A_207 = arith.constant 0 : i32
      %dma_wait3A_208 = tpu.memref_slice %arg9[%run_scoped3A_7, %dma_wait3A_206, %dma_wait3A_207] : memref<2x4x125xi32, #tpu.memory_space<vmem>> -> memref<1x4x125xi32, #tpu.memory_space<vmem>>
      %dma_wait3A_209 = tpu.memref_squeeze %dma_wait3A_208 : memref<1x4x125xi32, #tpu.memory_space<vmem>> -> memref<4x125xi32, #tpu.memory_space<vmem>>
      %dma_wait3A_210 = arith.constant 0 : i32
      %dma_wait3A_211 = arith.constant 0 : i32
      %dma_wait3A_212 = tpu.memref_slice %arg3[%run_scoped3A, %dma_wait3A_210, %dma_wait3A_211] : memref<2x2560x125xi32, #tpu.memory_space<hbm>> -> memref<1x2560x125xi32, #tpu.memory_space<hbm>>
      %dma_wait3A_213 = tpu.memref_squeeze %dma_wait3A_212 : memref<1x2560x125xi32, #tpu.memory_space<hbm>> -> memref<2560x125xi32, #tpu.memory_space<hbm>>
      %dma_wait3A_214 = arith.constant 0 : i32
      %dma_wait3A_215 = tpu.memref_slice %dma_wait3A_213[%add3A_6, %dma_wait3A_214] : memref<2560x125xi32, #tpu.memory_space<hbm>> -> memref<4x125xi32, #tpu.memory_space<hbm>>
      %dma_wait3A_216 = arith.constant 0 : i32
      %dma_wait3A_217 = arith.constant 0 : i32
      %dma_wait3A_218 = tpu.memref_slice %arg9[%run_scoped3A_7, %dma_wait3A_216, %dma_wait3A_217] : memref<2x4x125xi32, #tpu.memory_space<vmem>> -> memref<1x4x125xi32, #tpu.memory_space<vmem>>
      %dma_wait3A_219 = tpu.memref_squeeze %dma_wait3A_218 : memref<1x4x125xi32, #tpu.memory_space<vmem>> -> memref<4x125xi32, #tpu.memory_space<vmem>>
      %dma_wait3A_220 = arith.constant 0 : i32
      %dma_wait3A_221 = arith.constant 0 : i32
      %dma_wait3A_222 = tpu.memref_slice %arg3[%run_scoped3A, %dma_wait3A_220, %dma_wait3A_221] : memref<2x2560x125xi32, #tpu.memory_space<hbm>> -> memref<1x2560x125xi32, #tpu.memory_space<hbm>>
      %dma_wait3A_223 = tpu.memref_squeeze %dma_wait3A_222 : memref<1x2560x125xi32, #tpu.memory_space<hbm>> -> memref<2560x125xi32, #tpu.memory_space<hbm>>
      %dma_wait3A_224 = arith.constant 0 : i32
      %dma_wait3A_225 = tpu.memref_slice %dma_wait3A_223[%add3A_6, %dma_wait3A_224] : memref<2560x125xi32, #tpu.memory_space<hbm>> -> memref<4x125xi32, #tpu.memory_space<hbm>>
      tpu.wait_dma2 semaphore(%run_scoped3A_185 : memref<!tpu.dma_semaphore, #tpu.memory_space<semaphore_mem>>) src(%dma_wait3A_225 : memref<4x125xi32, #tpu.memory_space<hbm>>) dst(%dma_wait3A_219 : memref<4x125xi32, #tpu.memory_space<vmem>>)
      tpu.yield
    }) : () -> ()
    %add3A_8 = arith.constant 0 : i32
    %add3A_9 = arith.addi %mul3A_2, %add3A_8 : i32
    %run_scoped3A_10 = arith.constant 1 : i32
    %run_scoped3A_11 = arith.constant 0 : i32
    "tpu.region"() ({
      %run_scoped3A_185 = tpu.sem_alloc : memref<!tpu.dma_semaphore, #tpu.memory_space<semaphore_mem>>
      %dma_start3A_186 = arith.constant 0 : i32
      %dma_start3A_187 = arith.constant 0 : i32
      %dma_start3A_188 = tpu.memref_slice %arg10[%run_scoped3A_11, %dma_start3A_186, %dma_start3A_187] : memref<2x4x125xi32, #tpu.memory_space<vmem>> -> memref<1x4x125xi32, #tpu.memory_space<vmem>>
      %dma_start3A_189 = tpu.memref_squeeze %dma_start3A_188 : memref<1x4x125xi32, #tpu.memory_space<vmem>> -> memref<4x125xi32, #tpu.memory_space<vmem>>
      %dma_start3A_190 = arith.constant 0 : i32
      %dma_start3A_191 = arith.constant 0 : i32
      %dma_start3A_192 = tpu.memref_slice %arg3[%run_scoped3A_10, %dma_start3A_190, %dma_start3A_191] : memref<2x2560x125xi32, #tpu.memory_space<hbm>> -> memref<1x2560x125xi32, #tpu.memory_space<hbm>>
      %dma_start3A_193 = tpu.memref_squeeze %dma_start3A_192 : memref<1x2560x125xi32, #tpu.memory_space<hbm>> -> memref<2560x125xi32, #tpu.memory_space<hbm>>
      %dma_start3A_194 = arith.constant 0 : i32
      %dma_start3A_195 = tpu.memref_slice %dma_start3A_193[%add3A_9, %dma_start3A_194] : memref<2560x125xi32, #tpu.memory_space<hbm>> -> memref<4x125xi32, #tpu.memory_space<hbm>>
      %dma_start3A_196 = arith.constant 0 : i32
      %dma_start3A_197 = arith.constant 0 : i32
      %dma_start3A_198 = tpu.memref_slice %arg10[%run_scoped3A_11, %dma_start3A_196, %dma_start3A_197] : memref<2x4x125xi32, #tpu.memory_space<vmem>> -> memref<1x4x125xi32, #tpu.memory_space<vmem>>
      %dma_start3A_199 = tpu.memref_squeeze %dma_start3A_198 : memref<1x4x125xi32, #tpu.memory_space<vmem>> -> memref<4x125xi32, #tpu.memory_space<vmem>>
      %dma_start3A_200 = arith.constant 0 : i32
      %dma_start3A_201 = arith.constant 0 : i32
      %dma_start3A_202 = tpu.memref_slice %arg3[%run_scoped3A_10, %dma_start3A_200, %dma_start3A_201] : memref<2x2560x125xi32, #tpu.memory_space<hbm>> -> memref<1x2560x125xi32, #tpu.memory_space<hbm>>
      %dma_start3A_203 = tpu.memref_squeeze %dma_start3A_202 : memref<1x2560x125xi32, #tpu.memory_space<hbm>> -> memref<2560x125xi32, #tpu.memory_space<hbm>>
      %dma_start3A_204 = arith.constant 0 : i32
      %dma_start3A_205 = tpu.memref_slice %dma_start3A_203[%add3A_9, %dma_start3A_204] : memref<2560x125xi32, #tpu.memory_space<hbm>> -> memref<4x125xi32, #tpu.memory_space<hbm>>
      tpu.enqueue_dma source(%dma_start3A_205 : memref<4x125xi32, #tpu.memory_space<hbm>>) target(%dma_start3A_199 : memref<4x125xi32, #tpu.memory_space<vmem>>) target_semaphore(%run_scoped3A_185 : memref<!tpu.dma_semaphore, #tpu.memory_space<semaphore_mem>>)
      %dma_wait3A_206 = arith.constant 0 : i32
      %dma_wait3A_207 = arith.constant 0 : i32
      %dma_wait3A_208 = tpu.memref_slice %arg10[%run_scoped3A_11, %dma_wait3A_206, %dma_wait3A_207] : memref<2x4x125xi32, #tpu.memory_space<vmem>> -> memref<1x4x125xi32, #tpu.memory_space<vmem>>
      %dma_wait3A_209 = tpu.memref_squeeze %dma_wait3A_208 : memref<1x4x125xi32, #tpu.memory_space<vmem>> -> memref<4x125xi32, #tpu.memory_space<vmem>>
      %dma_wait3A_210 = arith.constant 0 : i32
      %dma_wait3A_211 = arith.constant 0 : i32
      %dma_wait3A_212 = tpu.memref_slice %arg3[%run_scoped3A_10, %dma_wait3A_210, %dma_wait3A_211] : memref<2x2560x125xi32, #tpu.memory_space<hbm>> -> memref<1x2560x125xi32, #tpu.memory_space<hbm>>
      %dma_wait3A_213 = tpu.memref_squeeze %dma_wait3A_212 : memref<1x2560x125xi32, #tpu.memory_space<hbm>> -> memref<2560x125xi32, #tpu.memory_space<hbm>>
      %dma_wait3A_214 = arith.constant 0 : i32
      %dma_wait3A_215 = tpu.memref_slice %dma_wait3A_213[%add3A_9, %dma_wait3A_214] : memref<2560x125xi32, #tpu.memory_space<hbm>> -> memref<4x125xi32, #tpu.memory_space<hbm>>
      %dma_wait3A_216 = arith.constant 0 : i32
      %dma_wait3A_217 = arith.constant 0 : i32
      %dma_wait3A_218 = tpu.memref_slice %arg10[%run_scoped3A_11, %dma_wait3A_216, %dma_wait3A_217] : memref<2x4x125xi32, #tpu.memory_space<vmem>> -> memref<1x4x125xi32, #tpu.memory_space<vmem>>
      %dma_wait3A_219 = tpu.memref_squeeze %dma_wait3A_218 : memref<1x4x125xi32, #tpu.memory_space<vmem>> -> memref<4x125xi32, #tpu.memory_space<vmem>>
      %dma_wait3A_220 = arith.constant 0 : i32
      %dma_wait3A_221 = arith.constant 0 : i32
      %dma_wait3A_222 = tpu.memref_slice %arg3[%run_scoped3A_10, %dma_wait3A_220, %dma_wait3A_221] : memref<2x2560x125xi32, #tpu.memory_space<hbm>> -> memref<1x2560x125xi32, #tpu.memory_space<hbm>>
      %dma_wait3A_223 = tpu.memref_squeeze %dma_wait3A_222 : memref<1x2560x125xi32, #tpu.memory_space<hbm>> -> memref<2560x125xi32, #tpu.memory_space<hbm>>
      %dma_wait3A_224 = arith.constant 0 : i32
      %dma_wait3A_225 = tpu.memref_slice %dma_wait3A_223[%add3A_9, %dma_wait3A_224] : memref<2560x125xi32, #tpu.memory_space<hbm>> -> memref<4x125xi32, #tpu.memory_space<hbm>>
      tpu.wait_dma2 semaphore(%run_scoped3A_185 : memref<!tpu.dma_semaphore, #tpu.memory_space<semaphore_mem>>) src(%dma_wait3A_225 : memref<4x125xi32, #tpu.memory_space<hbm>>) dst(%dma_wait3A_219 : memref<4x125xi32, #tpu.memory_space<vmem>>)
      tpu.yield
    }) : () -> ()
    %add3A_12 = arith.constant 4 : i32
    %add3A_13 = arith.addi %mul3A_2, %add3A_12 : i32
    %dma_start3A = arith.constant 0 : i32
    %dma_start3A_14 = arith.constant 1 : i32
    %dma_start3A_15 = arith.constant 0 : i32
    %dma_start3A_16 = arith.constant 0 : i32
    %dma_start3A_17 = tpu.memref_slice %arg9[%dma_start3A_14, %dma_start3A_15, %dma_start3A_16] : memref<2x4x125xi32, #tpu.memory_space<vmem>> -> memref<1x4x125xi32, #tpu.memory_space<vmem>>
    %dma_start3A_18 = tpu.memref_squeeze %dma_start3A_17 : memref<1x4x125xi32, #tpu.memory_space<vmem>> -> memref<4x125xi32, #tpu.memory_space<vmem>>
    %dma_start3A_19 = arith.constant 0 : i32
    %dma_start3A_20 = arith.constant 0 : i32
    %dma_start3A_21 = tpu.memref_slice %arg3[%dma_start3A, %dma_start3A_19, %dma_start3A_20] : memref<2x2560x125xi32, #tpu.memory_space<hbm>> -> memref<1x2560x125xi32, #tpu.memory_space<hbm>>
    %dma_start3A_22 = tpu.memref_squeeze %dma_start3A_21 : memref<1x2560x125xi32, #tpu.memory_space<hbm>> -> memref<2560x125xi32, #tpu.memory_space<hbm>>
    %dma_start3A_23 = arith.constant 0 : i32
    %dma_start3A_24 = tpu.memref_slice %dma_start3A_22[%add3A_13, %dma_start3A_23] : memref<2560x125xi32, #tpu.memory_space<hbm>> -> memref<4x125xi32, #tpu.memory_space<hbm>>
    %dma_start3A_25 = arith.constant 0 : i32
    %dma_start3A_26 = arith.constant 0 : i32
    %dma_start3A_27 = tpu.memref_slice %arg9[%dma_start3A_14, %dma_start3A_25, %dma_start3A_26] : memref<2x4x125xi32, #tpu.memory_space<vmem>> -> memref<1x4x125xi32, #tpu.memory_space<vmem>>
    %dma_start3A_28 = tpu.memref_squeeze %dma_start3A_27 : memref<1x4x125xi32, #tpu.memory_space<vmem>> -> memref<4x125xi32, #tpu.memory_space<vmem>>
    %dma_start3A_29 = arith.constant 0 : i32
    %dma_start3A_30 = arith.constant 0 : i32
    %dma_start3A_31 = tpu.memref_slice %arg3[%dma_start3A, %dma_start3A_29, %dma_start3A_30] : memref<2x2560x125xi32, #tpu.memory_space<hbm>> -> memref<1x2560x125xi32, #tpu.memory_space<hbm>>
    %dma_start3A_32 = tpu.memref_squeeze %dma_start3A_31 : memref<1x2560x125xi32, #tpu.memory_space<hbm>> -> memref<2560x125xi32, #tpu.memory_space<hbm>>
    %dma_start3A_33 = arith.constant 0 : i32
    %dma_start3A_34 = tpu.memref_slice %dma_start3A_32[%add3A_13, %dma_start3A_33] : memref<2560x125xi32, #tpu.memory_space<hbm>> -> memref<4x125xi32, #tpu.memory_space<hbm>>
    tpu.enqueue_dma source(%dma_start3A_34 : memref<4x125xi32, #tpu.memory_space<hbm>>) target(%dma_start3A_28 : memref<4x125xi32, #tpu.memory_space<vmem>>) target_semaphore(%arg18 : memref<!tpu.dma_semaphore, #tpu.memory_space<semaphore_mem>>)
    %add3A_35 = arith.constant 4 : i32
    %add3A_36 = arith.addi %mul3A_2, %add3A_35 : i32
    %dma_start3A_37 = arith.constant 1 : i32
    %dma_start3A_38 = arith.constant 1 : i32
    %dma_start3A_39 = arith.constant 0 : i32
    %dma_start3A_40 = arith.constant 0 : i32
    %dma_start3A_41 = tpu.memref_slice %arg10[%dma_start3A_38, %dma_start3A_39, %dma_start3A_40] : memref<2x4x125xi32, #tpu.memory_space<vmem>> -> memref<1x4x125xi32, #tpu.memory_space<vmem>>
    %dma_start3A_42 = tpu.memref_squeeze %dma_start3A_41 : memref<1x4x125xi32, #tpu.memory_space<vmem>> -> memref<4x125xi32, #tpu.memory_space<vmem>>
    %dma_start3A_43 = arith.constant 0 : i32
    %dma_start3A_44 = arith.constant 0 : i32
    %dma_start3A_45 = tpu.memref_slice %arg3[%dma_start3A_37, %dma_start3A_43, %dma_start3A_44] : memref<2x2560x125xi32, #tpu.memory_space<hbm>> -> memref<1x2560x125xi32, #tpu.memory_space<hbm>>
    %dma_start3A_46 = tpu.memref_squeeze %dma_start3A_45 : memref<1x2560x125xi32, #tpu.memory_space<hbm>> -> memref<2560x125xi32, #tpu.memory_space<hbm>>
    %dma_start3A_47 = arith.constant 0 : i32
    %dma_start3A_48 = tpu.memref_slice %dma_start3A_46[%add3A_36, %dma_start3A_47] : memref<2560x125xi32, #tpu.memory_space<hbm>> -> memref<4x125xi32, #tpu.memory_space<hbm>>
    %dma_start3A_49 = arith.constant 0 : i32
    %dma_start3A_50 = arith.constant 0 : i32
    %dma_start3A_51 = tpu.memref_slice %arg10[%dma_start3A_38, %dma_start3A_49, %dma_start3A_50] : memref<2x4x125xi32, #tpu.memory_space<vmem>> -> memref<1x4x125xi32, #tpu.memory_space<vmem>>
    %dma_start3A_52 = tpu.memref_squeeze %dma_start3A_51 : memref<1x4x125xi32, #tpu.memory_space<vmem>> -> memref<4x125xi32, #tpu.memory_space<vmem>>
    %dma_start3A_53 = arith.constant 0 : i32
    %dma_start3A_54 = arith.constant 0 : i32
    %dma_start3A_55 = tpu.memref_slice %arg3[%dma_start3A_37, %dma_start3A_53, %dma_start3A_54] : memref<2x2560x125xi32, #tpu.memory_space<hbm>> -> memref<1x2560x125xi32, #tpu.memory_space<hbm>>
    %dma_start3A_56 = tpu.memref_squeeze %dma_start3A_55 : memref<1x2560x125xi32, #tpu.memory_space<hbm>> -> memref<2560x125xi32, #tpu.memory_space<hbm>>
    %dma_start3A_57 = arith.constant 0 : i32
    %dma_start3A_58 = tpu.memref_slice %dma_start3A_56[%add3A_36, %dma_start3A_57] : memref<2560x125xi32, #tpu.memory_space<hbm>> -> memref<4x125xi32, #tpu.memory_space<hbm>>
    tpu.enqueue_dma source(%dma_start3A_58 : memref<4x125xi32, #tpu.memory_space<hbm>>) target(%dma_start3A_52 : memref<4x125xi32, #tpu.memory_space<vmem>>) target_semaphore(%arg19 : memref<!tpu.dma_semaphore, #tpu.memory_space<semaphore_mem>>)
    %barrier3A = arith.constant 0 : index
    tpu.barrier barrier_id(%barrier3A)
    %dma_start3A_59 = arith.constant 0 : i32
    %dma_start3A_60 = arith.constant 0 : i32
    %dma_start3A_61 = arith.constant 0 : i32
    %dma_start3A_62 = arith.constant 0 : i32
    %dma_start3A_63 = arith.constant 0 : i32
    %dma_start3A_64 = tpu.memref_slice %arg11[%dma_start3A_61, %dma_start3A_62, %dma_start3A_63] : memref<2x500x128xbf16, #tpu.memory_space<vmem>> -> memref<1x500x128xbf16, #tpu.memory_space<vmem>>
    %dma_start3A_65 = tpu.memref_squeeze %dma_start3A_64 : memref<1x500x128xbf16, #tpu.memory_space<vmem>> -> memref<500x128xbf16, #tpu.memory_space<vmem>>
    %dma_start3A_66 = arith.constant 0 : i32
    %dma_start3A_67 = arith.constant 0 : i32
    %dma_start3A_68 = tpu.memref_slice %dma_start3A_65[%dma_start3A_66, %dma_start3A_67] : memref<500x128xbf16, #tpu.memory_space<vmem>> -> memref<125x128xbf16, #tpu.memory_space<vmem>>
    %dma_start3A_69 = arith.constant 0 : i32
    %dma_start3A_70 = arith.constant 0 : i32
    %dma_start3A_71 = tpu.memref_slice %arg9[%dma_start3A_59, %dma_start3A_69, %dma_start3A_70] : memref<2x4x125xi32, #tpu.memory_space<vmem>> -> memref<1x4x125xi32, #tpu.memory_space<vmem>>
    %dma_start3A_72 = tpu.memref_squeeze %dma_start3A_71 : memref<1x4x125xi32, #tpu.memory_space<vmem>> -> memref<4x125xi32, #tpu.memory_space<vmem>>
    %dma_start3A_73 = arith.constant 0 : i32
    %dma_start3A_74 = tpu.memref_slice %dma_start3A_72[%dma_start3A_60, %dma_start3A_73] : memref<4x125xi32, #tpu.memory_space<vmem>> -> memref<1x125xi32, #tpu.memory_space<vmem>>
    %dma_start3A_75 = tpu.memref_squeeze %dma_start3A_74 : memref<1x125xi32, #tpu.memory_space<vmem>> -> memref<125xi32, #tpu.memory_space<vmem>>
    %dma_start3A_76 = arith.constant 0 : i32
    %dma_start3A_77 = arith.constant 0 : i32
    %dma_start3A_78 = tpu.memref_slice %arg2[%dma_start3A_76, %dma_start3A_77] : memref<10000x128xbf16, #tpu.memory_space<hbm>> -> memref<10000x128xbf16, #tpu.memory_space<hbm>>
    tpu.enqueue_indirect_dma source(%dma_start3A_78 : memref<10000x128xbf16, #tpu.memory_space<hbm>>) target(%dma_start3A_68 : memref<125x128xbf16, #tpu.memory_space<vmem>>) offsets(%dma_start3A_75 : memref<125xi32, #tpu.memory_space<vmem>>) semaphore(%arg15 : memref<!tpu.dma_semaphore, #tpu.memory_space<semaphore_mem>>)
    %dma_start3A_79 = arith.constant 0 : i32
    %dma_start3A_80 = arith.constant 1 : i32
    %dma_start3A_81 = arith.constant 0 : i32
    %dma_start3A_82 = arith.constant 0 : i32
    %dma_start3A_83 = arith.constant 0 : i32
    %dma_start3A_84 = tpu.memref_slice %arg11[%dma_start3A_81, %dma_start3A_82, %dma_start3A_83] : memref<2x500x128xbf16, #tpu.memory_space<vmem>> -> memref<1x500x128xbf16, #tpu.memory_space<vmem>>
    %dma_start3A_85 = tpu.memref_squeeze %dma_start3A_84 : memref<1x500x128xbf16, #tpu.memory_space<vmem>> -> memref<500x128xbf16, #tpu.memory_space<vmem>>
    %dma_start3A_86 = arith.constant 125 : i32
    %dma_start3A_87 = arith.constant 0 : i32
    %dma_start3A_88 = tpu.memref_slice %dma_start3A_85[%dma_start3A_86, %dma_start3A_87] : memref<500x128xbf16, #tpu.memory_space<vmem>> -> memref<125x128xbf16, #tpu.memory_space<vmem>>
    %dma_start3A_89 = arith.constant 0 : i32
    %dma_start3A_90 = arith.constant 0 : i32
    %dma_start3A_91 = tpu.memref_slice %arg9[%dma_start3A_79, %dma_start3A_89, %dma_start3A_90] : memref<2x4x125xi32, #tpu.memory_space<vmem>> -> memref<1x4x125xi32, #tpu.memory_space<vmem>>
    %dma_start3A_92 = tpu.memref_squeeze %dma_start3A_91 : memref<1x4x125xi32, #tpu.memory_space<vmem>> -> memref<4x125xi32, #tpu.memory_space<vmem>>
    %dma_start3A_93 = arith.constant 0 : i32
    %dma_start3A_94 = tpu.memref_slice %dma_start3A_92[%dma_start3A_80, %dma_start3A_93] : memref<4x125xi32, #tpu.memory_space<vmem>> -> memref<1x125xi32, #tpu.memory_space<vmem>>
    %dma_start3A_95 = tpu.memref_squeeze %dma_start3A_94 : memref<1x125xi32, #tpu.memory_space<vmem>> -> memref<125xi32, #tpu.memory_space<vmem>>
    %dma_start3A_96 = arith.constant 0 : i32
    %dma_start3A_97 = arith.constant 0 : i32
    %dma_start3A_98 = tpu.memref_slice %arg2[%dma_start3A_96, %dma_start3A_97] : memref<10000x128xbf16, #tpu.memory_space<hbm>> -> memref<10000x128xbf16, #tpu.memory_space<hbm>>
    tpu.enqueue_indirect_dma source(%dma_start3A_98 : memref<10000x128xbf16, #tpu.memory_space<hbm>>) target(%dma_start3A_88 : memref<125x128xbf16, #tpu.memory_space<vmem>>) offsets(%dma_start3A_95 : memref<125xi32, #tpu.memory_space<vmem>>) semaphore(%arg15 : memref<!tpu.dma_semaphore, #tpu.memory_space<semaphore_mem>>)
    %dma_start3A_99 = arith.constant 0 : i32
    %dma_start3A_100 = arith.constant 2 : i32
    %dma_start3A_101 = arith.constant 0 : i32
    %dma_start3A_102 = arith.constant 0 : i32
    %dma_start3A_103 = arith.constant 0 : i32
    %dma_start3A_104 = tpu.memref_slice %arg11[%dma_start3A_101, %dma_start3A_102, %dma_start3A_103] : memref<2x500x128xbf16, #tpu.memory_space<vmem>> -> memref<1x500x128xbf16, #tpu.memory_space<vmem>>
    %dma_start3A_105 = tpu.memref_squeeze %dma_start3A_104 : memref<1x500x128xbf16, #tpu.memory_space<vmem>> -> memref<500x128xbf16, #tpu.memory_space<vmem>>
    %dma_start3A_106 = arith.constant 250 : i32
    %dma_start3A_107 = arith.constant 0 : i32
    %dma_start3A_108 = tpu.memref_slice %dma_start3A_105[%dma_start3A_106, %dma_start3A_107] : memref<500x128xbf16, #tpu.memory_space<vmem>> -> memref<125x128xbf16, #tpu.memory_space<vmem>>
    %dma_start3A_109 = arith.constant 0 : i32
    %dma_start3A_110 = arith.constant 0 : i32
    %dma_start3A_111 = tpu.memref_slice %arg9[%dma_start3A_99, %dma_start3A_109, %dma_start3A_110] : memref<2x4x125xi32, #tpu.memory_space<vmem>> -> memref<1x4x125xi32, #tpu.memory_space<vmem>>
    %dma_start3A_112 = tpu.memref_squeeze %dma_start3A_111 : memref<1x4x125xi32, #tpu.memory_space<vmem>> -> memref<4x125xi32, #tpu.memory_space<vmem>>
    %dma_start3A_113 = arith.constant 0 : i32
    %dma_start3A_114 = tpu.memref_slice %dma_start3A_112[%dma_start3A_100, %dma_start3A_113] : memref<4x125xi32, #tpu.memory_space<vmem>> -> memref<1x125xi32, #tpu.memory_space<vmem>>
    %dma_start3A_115 = tpu.memref_squeeze %dma_start3A_114 : memref<1x125xi32, #tpu.memory_space<vmem>> -> memref<125xi32, #tpu.memory_space<vmem>>
    %dma_start3A_116 = arith.constant 0 : i32
    %dma_start3A_117 = arith.constant 0 : i32
    %dma_start3A_118 = tpu.memref_slice %arg2[%dma_start3A_116, %dma_start3A_117] : memref<10000x128xbf16, #tpu.memory_space<hbm>> -> memref<10000x128xbf16, #tpu.memory_space<hbm>>
    tpu.enqueue_indirect_dma source(%dma_start3A_118 : memref<10000x128xbf16, #tpu.memory_space<hbm>>) target(%dma_start3A_108 : memref<125x128xbf16, #tpu.memory_space<vmem>>) offsets(%dma_start3A_115 : memref<125xi32, #tpu.memory_space<vmem>>) semaphore(%arg15 : memref<!tpu.dma_semaphore, #tpu.memory_space<semaphore_mem>>)
    %dma_start3A_119 = arith.constant 0 : i32
    %dma_start3A_120 = arith.constant 3 : i32
    %dma_start3A_121 = arith.constant 0 : i32
    %dma_start3A_122 = arith.constant 0 : i32
    %dma_start3A_123 = arith.constant 0 : i32
    %dma_start3A_124 = tpu.memref_slice %arg11[%dma_start3A_121, %dma_start3A_122, %dma_start3A_123] : memref<2x500x128xbf16, #tpu.memory_space<vmem>> -> memref<1x500x128xbf16, #tpu.memory_space<vmem>>
    %dma_start3A_125 = tpu.memref_squeeze %dma_start3A_124 : memref<1x500x128xbf16, #tpu.memory_space<vmem>> -> memref<500x128xbf16, #tpu.memory_space<vmem>>
    %dma_start3A_126 = arith.constant 375 : i32
    %dma_start3A_127 = arith.constant 0 : i32
    %dma_start3A_128 = tpu.memref_slice %dma_start3A_125[%dma_start3A_126, %dma_start3A_127] : memref<500x128xbf16, #tpu.memory_space<vmem>> -> memref<125x128xbf16, #tpu.memory_space<vmem>>
    %dma_start3A_129 = arith.constant 0 : i32
    %dma_start3A_130 = arith.constant 0 : i32
    %dma_start3A_131 = tpu.memref_slice %arg9[%dma_start3A_119, %dma_start3A_129, %dma_start3A_130] : memref<2x4x125xi32, #tpu.memory_space<vmem>> -> memref<1x4x125xi32, #tpu.memory_space<vmem>>
    %dma_start3A_132 = tpu.memref_squeeze %dma_start3A_131 : memref<1x4x125xi32, #tpu.memory_space<vmem>> -> memref<4x125xi32, #tpu.memory_space<vmem>>
    %dma_start3A_133 = arith.constant 0 : i32
    %dma_start3A_134 = tpu.memref_slice %dma_start3A_132[%dma_start3A_120, %dma_start3A_133] : memref<4x125xi32, #tpu.memory_space<vmem>> -> memref<1x125xi32, #tpu.memory_space<vmem>>
    %dma_start3A_135 = tpu.memref_squeeze %dma_start3A_134 : memref<1x125xi32, #tpu.memory_space<vmem>> -> memref<125xi32, #tpu.memory_space<vmem>>
    %dma_start3A_136 = arith.constant 0 : i32
    %dma_start3A_137 = arith.constant 0 : i32
    %dma_start3A_138 = tpu.memref_slice %arg2[%dma_start3A_136, %dma_start3A_137] : memref<10000x128xbf16, #tpu.memory_space<hbm>> -> memref<10000x128xbf16, #tpu.memory_space<hbm>>
    tpu.enqueue_indirect_dma source(%dma_start3A_138 : memref<10000x128xbf16, #tpu.memory_space<hbm>>) target(%dma_start3A_128 : memref<125x128xbf16, #tpu.memory_space<vmem>>) offsets(%dma_start3A_135 : memref<125xi32, #tpu.memory_space<vmem>>) semaphore(%arg15 : memref<!tpu.dma_semaphore, #tpu.memory_space<semaphore_mem>>)
    %scan3A = arith.constant 0 : i32
    %scan3A_139 = arith.constant 1 : i32
    %scan3A_140 = arith.constant 0 : i32
    %scan3A_141 = arith.constant 0 : i32
    %scan3A_142 = arith.constant 20 : i32
    %scan3A_143 = arith.addi %scan3A_141, %scan3A_142 : i32
    %scan3A_144 = arith.constant 1 : i32
    scf.for %scan3A_185 = %scan3A_141 to %scan3A_143 step %scan3A_144  : i32 {
      %rem3A = arith.constant 2 : i32
      %rem3A_186 = arith.remsi %scan3A_185, %rem3A : i32
      %sub3A = arith.constant 1 : i32
      %sub3A_187 = arith.subi %sub3A, %rem3A_186 : i32
      %dma_wait3A_188 = arith.constant 0 : i32
      %dma_wait3A_189 = arith.constant 0 : i32
      %dma_wait3A_190 = tpu.memref_slice %arg11[%rem3A_186, %dma_wait3A_188, %dma_wait3A_189] : memref<2x500x128xbf16, #tpu.memory_space<vmem>> -> memref<1x500x128xbf16, #tpu.memory_space<vmem>>
      %dma_wait3A_191 = tpu.memref_squeeze %dma_wait3A_190 : memref<1x500x128xbf16, #tpu.memory_space<vmem>> -> memref<500x128xbf16, #tpu.memory_space<vmem>>
      %dma_wait3A_192 = arith.constant 0 : i32
      %dma_wait3A_193 = arith.constant 0 : i32
      %dma_wait3A_194 = tpu.memref_slice %arg2[%dma_wait3A_192, %dma_wait3A_193] : memref<10000x128xbf16, #tpu.memory_space<hbm>> -> memref<500x128xbf16, #tpu.memory_space<hbm>>
      %dma_wait3A_195 = arith.constant 0 : i32
      %dma_wait3A_196 = arith.constant 0 : i32
      %dma_wait3A_197 = tpu.memref_slice %arg11[%rem3A_186, %dma_wait3A_195, %dma_wait3A_196] : memref<2x500x128xbf16, #tpu.memory_space<vmem>> -> memref<1x500x128xbf16, #tpu.memory_space<vmem>>
      %dma_wait3A_198 = tpu.memref_squeeze %dma_wait3A_197 : memref<1x500x128xbf16, #tpu.memory_space<vmem>> -> memref<500x128xbf16, #tpu.memory_space<vmem>>
      %dma_wait3A_199 = arith.constant 0 : i32
      %dma_wait3A_200 = arith.constant 0 : i32
      %dma_wait3A_201 = tpu.memref_slice %arg2[%dma_wait3A_199, %dma_wait3A_200] : memref<10000x128xbf16, #tpu.memory_space<hbm>> -> memref<500x128xbf16, #tpu.memory_space<hbm>>
      tpu.wait_dma2 semaphore(%arg15 : memref<!tpu.dma_semaphore, #tpu.memory_space<semaphore_mem>>) src(%dma_wait3A_201 : memref<500x128xbf16, #tpu.memory_space<hbm>>) dst(%dma_wait3A_198 : memref<500x128xbf16, #tpu.memory_space<vmem>>)
      %ge3A = arith.constant 1 : i32
      %ge3A_202 = arith.cmpi sge, %scan3A_185, %ge3A : i32
      %convert_element_type3A = arith.extui %ge3A_202 : i1 to i32
      %cond3A = arith.constant 0 : i32
      %cond3A_203 = arith.cmpi ne, %convert_element_type3A, %cond3A : i32
      scf.if %cond3A_203 {
        %dma_wait3A_331 = arith.constant 0 : i32
        %dma_wait3A_332 = arith.constant 0 : i32
        %dma_wait3A_333 = arith.constant 0 : i32
        %dma_wait3A_334 = tpu.memref_slice %arg11[%dma_wait3A_331, %dma_wait3A_332, %dma_wait3A_333] : memref<2x500x128xbf16, #tpu.memory_space<vmem>> -> memref<1x500x128xbf16, #tpu.memory_space<vmem>>
        %dma_wait3A_335 = tpu.memref_squeeze %dma_wait3A_334 : memref<1x500x128xbf16, #tpu.memory_space<vmem>> -> memref<500x128xbf16, #tpu.memory_space<vmem>>
        %dma_wait3A_336 = arith.constant 0 : i32
        %dma_wait3A_337 = arith.constant 0 : i32
        %dma_wait3A_338 = tpu.memref_slice %arg2[%dma_wait3A_336, %dma_wait3A_337] : memref<10000x128xbf16, #tpu.memory_space<hbm>> -> memref<500x128xbf16, #tpu.memory_space<hbm>>
        %dma_wait3A_339 = arith.constant 0 : i32
        %dma_wait3A_340 = arith.constant 0 : i32
        %dma_wait3A_341 = tpu.memref_slice %arg11[%dma_wait3A_331, %dma_wait3A_339, %dma_wait3A_340] : memref<2x500x128xbf16, #tpu.memory_space<vmem>> -> memref<1x500x128xbf16, #tpu.memory_space<vmem>>
        %dma_wait3A_342 = tpu.memref_squeeze %dma_wait3A_341 : memref<1x500x128xbf16, #tpu.memory_space<vmem>> -> memref<500x128xbf16, #tpu.memory_space<vmem>>
        %dma_wait3A_343 = arith.constant 0 : i32
        %dma_wait3A_344 = arith.constant 0 : i32
        %dma_wait3A_345 = tpu.memref_slice %arg2[%dma_wait3A_343, %dma_wait3A_344] : memref<10000x128xbf16, #tpu.memory_space<hbm>> -> memref<500x128xbf16, #tpu.memory_space<hbm>>
        tpu.wait_dma2 semaphore(%arg16 : memref<!tpu.dma_semaphore, #tpu.memory_space<semaphore_mem>>) src(%dma_wait3A_345 : memref<500x128xbf16, #tpu.memory_space<hbm>>) dst(%dma_wait3A_342 : memref<500x128xbf16, #tpu.memory_space<vmem>>)
        %dma_wait3A_346 = arith.constant 0 : i32
        %dma_wait3A_347 = arith.constant 0 : i32
        %dma_wait3A_348 = tpu.memref_slice %arg5[%dma_wait3A_346, %dma_wait3A_347] : memref<640x16xf32, #tpu.memory_space<hbm>> -> memref<125x16xf32, #tpu.memory_space<hbm>>
        %dma_wait3A_349 = arith.constant 0 : i32
        %dma_wait3A_350 = arith.constant 0 : i32
        %dma_wait3A_351 = tpu.memref_slice %arg5[%dma_wait3A_349, %dma_wait3A_350] : memref<640x16xf32, #tpu.memory_space<hbm>> -> memref<125x16xf32, #tpu.memory_space<hbm>>
        tpu.wait_dma2 semaphore(%arg17 : memref<!tpu.dma_semaphore, #tpu.memory_space<semaphore_mem>>) src(%dma_wait3A_351 : memref<125x16xf32, #tpu.memory_space<hbm>>) dst(%arg12 : memref<125x16xf32, #tpu.memory_space<vmem>>)
        %dma_wait3A_352 = arith.constant 0 : i32
        %dma_wait3A_353 = arith.constant 0 : i32
        %dma_wait3A_354 = tpu.memref_slice %arg5[%dma_wait3A_352, %dma_wait3A_353] : memref<640x16xf32, #tpu.memory_space<hbm>> -> memref<125x16xf32, #tpu.memory_space<hbm>>
        %dma_wait3A_355 = arith.constant 0 : i32
        %dma_wait3A_356 = arith.constant 0 : i32
        %dma_wait3A_357 = tpu.memref_slice %arg5[%dma_wait3A_355, %dma_wait3A_356] : memref<640x16xf32, #tpu.memory_space<hbm>> -> memref<125x16xf32, #tpu.memory_space<hbm>>
        tpu.wait_dma2 semaphore(%arg17 : memref<!tpu.dma_semaphore, #tpu.memory_space<semaphore_mem>>) src(%dma_wait3A_357 : memref<125x16xf32, #tpu.memory_space<hbm>>) dst(%arg12 : memref<125x16xf32, #tpu.memory_space<vmem>>)
        %dma_wait3A_358 = arith.constant 0 : i32
        %dma_wait3A_359 = arith.constant 0 : i32
        %dma_wait3A_360 = tpu.memref_slice %arg5[%dma_wait3A_358, %dma_wait3A_359] : memref<640x16xf32, #tpu.memory_space<hbm>> -> memref<125x16xf32, #tpu.memory_space<hbm>>
        %dma_wait3A_361 = arith.constant 0 : i32
        %dma_wait3A_362 = arith.constant 0 : i32
        %dma_wait3A_363 = tpu.memref_slice %arg5[%dma_wait3A_361, %dma_wait3A_362] : memref<640x16xf32, #tpu.memory_space<hbm>> -> memref<125x16xf32, #tpu.memory_space<hbm>>
        tpu.wait_dma2 semaphore(%arg17 : memref<!tpu.dma_semaphore, #tpu.memory_space<semaphore_mem>>) src(%dma_wait3A_363 : memref<125x16xf32, #tpu.memory_space<hbm>>) dst(%arg12 : memref<125x16xf32, #tpu.memory_space<vmem>>)
        %dma_wait3A_364 = arith.constant 0 : i32
        %dma_wait3A_365 = arith.constant 0 : i32
        %dma_wait3A_366 = tpu.memref_slice %arg5[%dma_wait3A_364, %dma_wait3A_365] : memref<640x16xf32, #tpu.memory_space<hbm>> -> memref<125x16xf32, #tpu.memory_space<hbm>>
        %dma_wait3A_367 = arith.constant 0 : i32
        %dma_wait3A_368 = arith.constant 0 : i32
        %dma_wait3A_369 = tpu.memref_slice %arg5[%dma_wait3A_367, %dma_wait3A_368] : memref<640x16xf32, #tpu.memory_space<hbm>> -> memref<125x16xf32, #tpu.memory_space<hbm>>
        tpu.wait_dma2 semaphore(%arg17 : memref<!tpu.dma_semaphore, #tpu.memory_space<semaphore_mem>>) src(%dma_wait3A_369 : memref<125x16xf32, #tpu.memory_space<hbm>>) dst(%arg12 : memref<125x16xf32, #tpu.memory_space<vmem>>)
        %add3A_370 = arith.constant 1 : i32
        %add3A_371 = arith.addi %scan3A_185, %add3A_370 : i32
        %lt3A_372 = arith.constant 20 : i32
        %lt3A_373 = arith.cmpi slt, %add3A_371, %lt3A_372 : i32
        %convert_element_type3A_374 = arith.extui %lt3A_373 : i1 to i32
        %cond3A_375 = arith.constant 0 : i32
        %cond3A_376 = arith.cmpi ne, %convert_element_type3A_374, %cond3A_375 : i32
        scf.if %cond3A_376 {
          %add3A_377 = arith.constant 1 : i32
          %add3A_378 = arith.addi %scan3A_185, %add3A_377 : i32
          %mul3A_379 = arith.constant 4 : i32
          %mul3A_380 = arith.muli %add3A_378, %mul3A_379 : i32
          %add3A_381 = arith.addi %mul3A_2, %mul3A_380 : i32
          %sub3A_382 = arith.constant 1 : i32
          %sub3A_383 = arith.subi %sub3A_382, %rem3A_186 : i32
          %dma_start3A_384 = arith.constant 0 : i32
          %dma_start3A_385 = arith.constant 0 : i32
          %dma_start3A_386 = tpu.memref_slice %arg10[%sub3A_383, %dma_start3A_384, %dma_start3A_385] : memref<2x4x125xi32, #tpu.memory_space<vmem>> -> memref<1x4x125xi32, #tpu.memory_space<vmem>>
          %dma_start3A_387 = tpu.memref_squeeze %dma_start3A_386 : memref<1x4x125xi32, #tpu.memory_space<vmem>> -> memref<4x125xi32, #tpu.memory_space<vmem>>
          %dma_start3A_388 = arith.constant 0 : i32
          %dma_start3A_389 = arith.constant 0 : i32
          %dma_start3A_390 = tpu.memref_slice %arg3[%scan3A_139, %dma_start3A_388, %dma_start3A_389] : memref<2x2560x125xi32, #tpu.memory_space<hbm>> -> memref<1x2560x125xi32, #tpu.memory_space<hbm>>
          %dma_start3A_391 = tpu.memref_squeeze %dma_start3A_390 : memref<1x2560x125xi32, #tpu.memory_space<hbm>> -> memref<2560x125xi32, #tpu.memory_space<hbm>>
          %dma_start3A_392 = arith.constant 0 : i32
          %dma_start3A_393 = tpu.memref_slice %dma_start3A_391[%add3A_381, %dma_start3A_392] : memref<2560x125xi32, #tpu.memory_space<hbm>> -> memref<4x125xi32, #tpu.memory_space<hbm>>
          %dma_start3A_394 = arith.constant 0 : i32
          %dma_start3A_395 = arith.constant 0 : i32
          %dma_start3A_396 = tpu.memref_slice %arg10[%sub3A_383, %dma_start3A_394, %dma_start3A_395] : memref<2x4x125xi32, #tpu.memory_space<vmem>> -> memref<1x4x125xi32, #tpu.memory_space<vmem>>
          %dma_start3A_397 = tpu.memref_squeeze %dma_start3A_396 : memref<1x4x125xi32, #tpu.memory_space<vmem>> -> memref<4x125xi32, #tpu.memory_space<vmem>>
          %dma_start3A_398 = arith.constant 0 : i32
          %dma_start3A_399 = arith.constant 0 : i32
          %dma_start3A_400 = tpu.memref_slice %arg3[%scan3A_139, %dma_start3A_398, %dma_start3A_399] : memref<2x2560x125xi32, #tpu.memory_space<hbm>> -> memref<1x2560x125xi32, #tpu.memory_space<hbm>>
          %dma_start3A_401 = tpu.memref_squeeze %dma_start3A_400 : memref<1x2560x125xi32, #tpu.memory_space<hbm>> -> memref<2560x125xi32, #tpu.memory_space<hbm>>
          %dma_start3A_402 = arith.constant 0 : i32
          %dma_start3A_403 = tpu.memref_slice %dma_start3A_401[%add3A_381, %dma_start3A_402] : memref<2560x125xi32, #tpu.memory_space<hbm>> -> memref<4x125xi32, #tpu.memory_space<hbm>>
          tpu.enqueue_dma source(%dma_start3A_403 : memref<4x125xi32, #tpu.memory_space<hbm>>) target(%dma_start3A_397 : memref<4x125xi32, #tpu.memory_space<vmem>>) target_semaphore(%arg19 : memref<!tpu.dma_semaphore, #tpu.memory_space<semaphore_mem>>)
        } else {
        }
      } else {
      }
      %add3A_204 = arith.constant 1 : i32
      %add3A_205 = arith.addi %scan3A_185, %add3A_204 : i32
      %lt3A = arith.constant 20 : i32
      %lt3A_206 = arith.cmpi slt, %add3A_205, %lt3A : i32
      %convert_element_type3A_207 = arith.extui %lt3A_206 : i1 to i32
      %cond3A_208 = arith.constant 0 : i32
      %cond3A_209 = arith.cmpi ne, %convert_element_type3A_207, %cond3A_208 : i32
      scf.if %cond3A_209 {
        %dma_wait3A_331 = arith.constant 0 : i32
        %dma_wait3A_332 = arith.constant 0 : i32
        %dma_wait3A_333 = arith.constant 0 : i32
        %dma_wait3A_334 = tpu.memref_slice %arg9[%dma_wait3A_331, %dma_wait3A_332, %dma_wait3A_333] : memref<2x4x125xi32, #tpu.memory_space<vmem>> -> memref<1x4x125xi32, #tpu.memory_space<vmem>>
        %dma_wait3A_335 = tpu.memref_squeeze %dma_wait3A_334 : memref<1x4x125xi32, #tpu.memory_space<vmem>> -> memref<4x125xi32, #tpu.memory_space<vmem>>
        %dma_wait3A_336 = arith.constant 0 : i32
        %dma_wait3A_337 = arith.constant 0 : i32
        %dma_wait3A_338 = tpu.memref_slice %arg3[%scan3A_140, %dma_wait3A_336, %dma_wait3A_337] : memref<2x2560x125xi32, #tpu.memory_space<hbm>> -> memref<1x2560x125xi32, #tpu.memory_space<hbm>>
        %dma_wait3A_339 = tpu.memref_squeeze %dma_wait3A_338 : memref<1x2560x125xi32, #tpu.memory_space<hbm>> -> memref<2560x125xi32, #tpu.memory_space<hbm>>
        %dma_wait3A_340 = arith.constant 0 : i32
        %dma_wait3A_341 = arith.constant 0 : i32
        %dma_wait3A_342 = tpu.memref_slice %dma_wait3A_339[%dma_wait3A_340, %dma_wait3A_341] : memref<2560x125xi32, #tpu.memory_space<hbm>> -> memref<4x125xi32, #tpu.memory_space<hbm>>
        %dma_wait3A_343 = arith.constant 0 : i32
        %dma_wait3A_344 = arith.constant 0 : i32
        %dma_wait3A_345 = tpu.memref_slice %arg9[%dma_wait3A_331, %dma_wait3A_343, %dma_wait3A_344] : memref<2x4x125xi32, #tpu.memory_space<vmem>> -> memref<1x4x125xi32, #tpu.memory_space<vmem>>
        %dma_wait3A_346 = tpu.memref_squeeze %dma_wait3A_345 : memref<1x4x125xi32, #tpu.memory_space<vmem>> -> memref<4x125xi32, #tpu.memory_space<vmem>>
        %dma_wait3A_347 = arith.constant 0 : i32
        %dma_wait3A_348 = arith.constant 0 : i32
        %dma_wait3A_349 = tpu.memref_slice %arg3[%scan3A_140, %dma_wait3A_347, %dma_wait3A_348] : memref<2x2560x125xi32, #tpu.memory_space<hbm>> -> memref<1x2560x125xi32, #tpu.memory_space<hbm>>
        %dma_wait3A_350 = tpu.memref_squeeze %dma_wait3A_349 : memref<1x2560x125xi32, #tpu.memory_space<hbm>> -> memref<2560x125xi32, #tpu.memory_space<hbm>>
        %dma_wait3A_351 = arith.constant 0 : i32
        %dma_wait3A_352 = arith.constant 0 : i32
        %dma_wait3A_353 = tpu.memref_slice %dma_wait3A_350[%dma_wait3A_351, %dma_wait3A_352] : memref<2560x125xi32, #tpu.memory_space<hbm>> -> memref<4x125xi32, #tpu.memory_space<hbm>>
        tpu.wait_dma2 semaphore(%arg18 : memref<!tpu.dma_semaphore, #tpu.memory_space<semaphore_mem>>) src(%dma_wait3A_353 : memref<4x125xi32, #tpu.memory_space<hbm>>) dst(%dma_wait3A_346 : memref<4x125xi32, #tpu.memory_space<vmem>>)
        %add3A_354 = arith.constant 2 : i32
        %add3A_355 = arith.addi %scan3A_185, %add3A_354 : i32
        %lt3A_356 = arith.constant 20 : i32
        %lt3A_357 = arith.cmpi slt, %add3A_355, %lt3A_356 : i32
        %convert_element_type3A_358 = arith.extui %lt3A_357 : i1 to i32
        %cond3A_359 = arith.constant 0 : i32
        %cond3A_360 = arith.cmpi ne, %convert_element_type3A_358, %cond3A_359 : i32
        scf.if %cond3A_360 {
          %add3A_435 = arith.constant 2 : i32
          %add3A_436 = arith.addi %scan3A_185, %add3A_435 : i32
          %mul3A_437 = arith.constant 4 : i32
          %mul3A_438 = arith.muli %add3A_436, %mul3A_437 : i32
          %add3A_439 = arith.addi %mul3A_2, %mul3A_438 : i32
          %dma_start3A_440 = arith.constant 0 : i32
          %dma_start3A_441 = arith.constant 0 : i32
          %dma_start3A_442 = tpu.memref_slice %arg9[%rem3A_186, %dma_start3A_440, %dma_start3A_441] : memref<2x4x125xi32, #tpu.memory_space<vmem>> -> memref<1x4x125xi32, #tpu.memory_space<vmem>>
          %dma_start3A_443 = tpu.memref_squeeze %dma_start3A_442 : memref<1x4x125xi32, #tpu.memory_space<vmem>> -> memref<4x125xi32, #tpu.memory_space<vmem>>
          %dma_start3A_444 = arith.constant 0 : i32
          %dma_start3A_445 = arith.constant 0 : i32
          %dma_start3A_446 = tpu.memref_slice %arg3[%scan3A_140, %dma_start3A_444, %dma_start3A_445] : memref<2x2560x125xi32, #tpu.memory_space<hbm>> -> memref<1x2560x125xi32, #tpu.memory_space<hbm>>
          %dma_start3A_447 = tpu.memref_squeeze %dma_start3A_446 : memref<1x2560x125xi32, #tpu.memory_space<hbm>> -> memref<2560x125xi32, #tpu.memory_space<hbm>>
          %dma_start3A_448 = arith.constant 0 : i32
          %dma_start3A_449 = tpu.memref_slice %dma_start3A_447[%add3A_439, %dma_start3A_448] : memref<2560x125xi32, #tpu.memory_space<hbm>> -> memref<4x125xi32, #tpu.memory_space<hbm>>
          %dma_start3A_450 = arith.constant 0 : i32
          %dma_start3A_451 = arith.constant 0 : i32
          %dma_start3A_452 = tpu.memref_slice %arg9[%rem3A_186, %dma_start3A_450, %dma_start3A_451] : memref<2x4x125xi32, #tpu.memory_space<vmem>> -> memref<1x4x125xi32, #tpu.memory_space<vmem>>
          %dma_start3A_453 = tpu.memref_squeeze %dma_start3A_452 : memref<1x4x125xi32, #tpu.memory_space<vmem>> -> memref<4x125xi32, #tpu.memory_space<vmem>>
          %dma_start3A_454 = arith.constant 0 : i32
          %dma_start3A_455 = arith.constant 0 : i32
          %dma_start3A_456 = tpu.memref_slice %arg3[%scan3A_140, %dma_start3A_454, %dma_start3A_455] : memref<2x2560x125xi32, #tpu.memory_space<hbm>> -> memref<1x2560x125xi32, #tpu.memory_space<hbm>>
          %dma_start3A_457 = tpu.memref_squeeze %dma_start3A_456 : memref<1x2560x125xi32, #tpu.memory_space<hbm>> -> memref<2560x125xi32, #tpu.memory_space<hbm>>
          %dma_start3A_458 = arith.constant 0 : i32
          %dma_start3A_459 = tpu.memref_slice %dma_start3A_457[%add3A_439, %dma_start3A_458] : memref<2560x125xi32, #tpu.memory_space<hbm>> -> memref<4x125xi32, #tpu.memory_space<hbm>>
          tpu.enqueue_dma source(%dma_start3A_459 : memref<4x125xi32, #tpu.memory_space<hbm>>) target(%dma_start3A_453 : memref<4x125xi32, #tpu.memory_space<vmem>>) target_semaphore(%arg18 : memref<!tpu.dma_semaphore, #tpu.memory_space<semaphore_mem>>)
        } else {
        }
        %sub3A_361 = arith.constant 1 : i32
        %sub3A_362 = arith.subi %sub3A_361, %rem3A_186 : i32
        %dma_start3A_363 = arith.constant 0 : i32
        %dma_start3A_364 = arith.constant 0 : i32
        %dma_start3A_365 = arith.constant 0 : i32
        %dma_start3A_366 = tpu.memref_slice %arg11[%sub3A_187, %dma_start3A_364, %dma_start3A_365] : memref<2x500x128xbf16, #tpu.memory_space<vmem>> -> memref<1x500x128xbf16, #tpu.memory_space<vmem>>
        %dma_start3A_367 = tpu.memref_squeeze %dma_start3A_366 : memref<1x500x128xbf16, #tpu.memory_space<vmem>> -> memref<500x128xbf16, #tpu.memory_space<vmem>>
        %dma_start3A_368 = arith.constant 0 : i32
        %dma_start3A_369 = arith.constant 0 : i32
        %dma_start3A_370 = tpu.memref_slice %dma_start3A_367[%dma_start3A_368, %dma_start3A_369] : memref<500x128xbf16, #tpu.memory_space<vmem>> -> memref<125x128xbf16, #tpu.memory_space<vmem>>
        %dma_start3A_371 = arith.constant 0 : i32
        %dma_start3A_372 = arith.constant 0 : i32
        %dma_start3A_373 = tpu.memref_slice %arg9[%sub3A_362, %dma_start3A_371, %dma_start3A_372] : memref<2x4x125xi32, #tpu.memory_space<vmem>> -> memref<1x4x125xi32, #tpu.memory_space<vmem>>
        %dma_start3A_374 = tpu.memref_squeeze %dma_start3A_373 : memref<1x4x125xi32, #tpu.memory_space<vmem>> -> memref<4x125xi32, #tpu.memory_space<vmem>>
        %dma_start3A_375 = arith.constant 0 : i32
        %dma_start3A_376 = tpu.memref_slice %dma_start3A_374[%dma_start3A_363, %dma_start3A_375] : memref<4x125xi32, #tpu.memory_space<vmem>> -> memref<1x125xi32, #tpu.memory_space<vmem>>
        %dma_start3A_377 = tpu.memref_squeeze %dma_start3A_376 : memref<1x125xi32, #tpu.memory_space<vmem>> -> memref<125xi32, #tpu.memory_space<vmem>>
        %dma_start3A_378 = arith.constant 0 : i32
        %dma_start3A_379 = arith.constant 0 : i32
        %dma_start3A_380 = tpu.memref_slice %arg2[%dma_start3A_378, %dma_start3A_379] : memref<10000x128xbf16, #tpu.memory_space<hbm>> -> memref<10000x128xbf16, #tpu.memory_space<hbm>>
        tpu.enqueue_indirect_dma source(%dma_start3A_380 : memref<10000x128xbf16, #tpu.memory_space<hbm>>) target(%dma_start3A_370 : memref<125x128xbf16, #tpu.memory_space<vmem>>) offsets(%dma_start3A_377 : memref<125xi32, #tpu.memory_space<vmem>>) semaphore(%arg15 : memref<!tpu.dma_semaphore, #tpu.memory_space<semaphore_mem>>)
        %dma_start3A_381 = arith.constant 1 : i32
        %dma_start3A_382 = arith.constant 0 : i32
        %dma_start3A_383 = arith.constant 0 : i32
        %dma_start3A_384 = tpu.memref_slice %arg11[%sub3A_187, %dma_start3A_382, %dma_start3A_383] : memref<2x500x128xbf16, #tpu.memory_space<vmem>> -> memref<1x500x128xbf16, #tpu.memory_space<vmem>>
        %dma_start3A_385 = tpu.memref_squeeze %dma_start3A_384 : memref<1x500x128xbf16, #tpu.memory_space<vmem>> -> memref<500x128xbf16, #tpu.memory_space<vmem>>
        %dma_start3A_386 = arith.constant 125 : i32
        %dma_start3A_387 = arith.constant 0 : i32
        %dma_start3A_388 = tpu.memref_slice %dma_start3A_385[%dma_start3A_386, %dma_start3A_387] : memref<500x128xbf16, #tpu.memory_space<vmem>> -> memref<125x128xbf16, #tpu.memory_space<vmem>>
        %dma_start3A_389 = arith.constant 0 : i32
        %dma_start3A_390 = arith.constant 0 : i32
        %dma_start3A_391 = tpu.memref_slice %arg9[%sub3A_362, %dma_start3A_389, %dma_start3A_390] : memref<2x4x125xi32, #tpu.memory_space<vmem>> -> memref<1x4x125xi32, #tpu.memory_space<vmem>>
        %dma_start3A_392 = tpu.memref_squeeze %dma_start3A_391 : memref<1x4x125xi32, #tpu.memory_space<vmem>> -> memref<4x125xi32, #tpu.memory_space<vmem>>
        %dma_start3A_393 = arith.constant 0 : i32
        %dma_start3A_394 = tpu.memref_slice %dma_start3A_392[%dma_start3A_381, %dma_start3A_393] : memref<4x125xi32, #tpu.memory_space<vmem>> -> memref<1x125xi32, #tpu.memory_space<vmem>>
        %dma_start3A_395 = tpu.memref_squeeze %dma_start3A_394 : memref<1x125xi32, #tpu.memory_space<vmem>> -> memref<125xi32, #tpu.memory_space<vmem>>
        %dma_start3A_396 = arith.constant 0 : i32
        %dma_start3A_397 = arith.constant 0 : i32
        %dma_start3A_398 = tpu.memref_slice %arg2[%dma_start3A_396, %dma_start3A_397] : memref<10000x128xbf16, #tpu.memory_space<hbm>> -> memref<10000x128xbf16, #tpu.memory_space<hbm>>
        tpu.enqueue_indirect_dma source(%dma_start3A_398 : memref<10000x128xbf16, #tpu.memory_space<hbm>>) target(%dma_start3A_388 : memref<125x128xbf16, #tpu.memory_space<vmem>>) offsets(%dma_start3A_395 : memref<125xi32, #tpu.memory_space<vmem>>) semaphore(%arg15 : memref<!tpu.dma_semaphore, #tpu.memory_space<semaphore_mem>>)
        %dma_start3A_399 = arith.constant 2 : i32
        %dma_start3A_400 = arith.constant 0 : i32
        %dma_start3A_401 = arith.constant 0 : i32
        %dma_start3A_402 = tpu.memref_slice %arg11[%sub3A_187, %dma_start3A_400, %dma_start3A_401] : memref<2x500x128xbf16, #tpu.memory_space<vmem>> -> memref<1x500x128xbf16, #tpu.memory_space<vmem>>
        %dma_start3A_403 = tpu.memref_squeeze %dma_start3A_402 : memref<1x500x128xbf16, #tpu.memory_space<vmem>> -> memref<500x128xbf16, #tpu.memory_space<vmem>>
        %dma_start3A_404 = arith.constant 250 : i32
        %dma_start3A_405 = arith.constant 0 : i32
        %dma_start3A_406 = tpu.memref_slice %dma_start3A_403[%dma_start3A_404, %dma_start3A_405] : memref<500x128xbf16, #tpu.memory_space<vmem>> -> memref<125x128xbf16, #tpu.memory_space<vmem>>
        %dma_start3A_407 = arith.constant 0 : i32
        %dma_start3A_408 = arith.constant 0 : i32
        %dma_start3A_409 = tpu.memref_slice %arg9[%sub3A_362, %dma_start3A_407, %dma_start3A_408] : memref<2x4x125xi32, #tpu.memory_space<vmem>> -> memref<1x4x125xi32, #tpu.memory_space<vmem>>
        %dma_start3A_410 = tpu.memref_squeeze %dma_start3A_409 : memref<1x4x125xi32, #tpu.memory_space<vmem>> -> memref<4x125xi32, #tpu.memory_space<vmem>>
        %dma_start3A_411 = arith.constant 0 : i32
        %dma_start3A_412 = tpu.memref_slice %dma_start3A_410[%dma_start3A_399, %dma_start3A_411] : memref<4x125xi32, #tpu.memory_space<vmem>> -> memref<1x125xi32, #tpu.memory_space<vmem>>
        %dma_start3A_413 = tpu.memref_squeeze %dma_start3A_412 : memref<1x125xi32, #tpu.memory_space<vmem>> -> memref<125xi32, #tpu.memory_space<vmem>>
        %dma_start3A_414 = arith.constant 0 : i32
        %dma_start3A_415 = arith.constant 0 : i32
        %dma_start3A_416 = tpu.memref_slice %arg2[%dma_start3A_414, %dma_start3A_415] : memref<10000x128xbf16, #tpu.memory_space<hbm>> -> memref<10000x128xbf16, #tpu.memory_space<hbm>>
        tpu.enqueue_indirect_dma source(%dma_start3A_416 : memref<10000x128xbf16, #tpu.memory_space<hbm>>) target(%dma_start3A_406 : memref<125x128xbf16, #tpu.memory_space<vmem>>) offsets(%dma_start3A_413 : memref<125xi32, #tpu.memory_space<vmem>>) semaphore(%arg15 : memref<!tpu.dma_semaphore, #tpu.memory_space<semaphore_mem>>)
        %dma_start3A_417 = arith.constant 3 : i32
        %dma_start3A_418 = arith.constant 0 : i32
        %dma_start3A_419 = arith.constant 0 : i32
        %dma_start3A_420 = tpu.memref_slice %arg11[%sub3A_187, %dma_start3A_418, %dma_start3A_419] : memref<2x500x128xbf16, #tpu.memory_space<vmem>> -> memref<1x500x128xbf16, #tpu.memory_space<vmem>>
        %dma_start3A_421 = tpu.memref_squeeze %dma_start3A_420 : memref<1x500x128xbf16, #tpu.memory_space<vmem>> -> memref<500x128xbf16, #tpu.memory_space<vmem>>
        %dma_start3A_422 = arith.constant 375 : i32
        %dma_start3A_423 = arith.constant 0 : i32
        %dma_start3A_424 = tpu.memref_slice %dma_start3A_421[%dma_start3A_422, %dma_start3A_423] : memref<500x128xbf16, #tpu.memory_space<vmem>> -> memref<125x128xbf16, #tpu.memory_space<vmem>>
        %dma_start3A_425 = arith.constant 0 : i32
        %dma_start3A_426 = arith.constant 0 : i32
        %dma_start3A_427 = tpu.memref_slice %arg9[%sub3A_362, %dma_start3A_425, %dma_start3A_426] : memref<2x4x125xi32, #tpu.memory_space<vmem>> -> memref<1x4x125xi32, #tpu.memory_space<vmem>>
        %dma_start3A_428 = tpu.memref_squeeze %dma_start3A_427 : memref<1x4x125xi32, #tpu.memory_space<vmem>> -> memref<4x125xi32, #tpu.memory_space<vmem>>
        %dma_start3A_429 = arith.constant 0 : i32
        %dma_start3A_430 = tpu.memref_slice %dma_start3A_428[%dma_start3A_417, %dma_start3A_429] : memref<4x125xi32, #tpu.memory_space<vmem>> -> memref<1x125xi32, #tpu.memory_space<vmem>>
        %dma_start3A_431 = tpu.memref_squeeze %dma_start3A_430 : memref<1x125xi32, #tpu.memory_space<vmem>> -> memref<125xi32, #tpu.memory_space<vmem>>
        %dma_start3A_432 = arith.constant 0 : i32
        %dma_start3A_433 = arith.constant 0 : i32
        %dma_start3A_434 = tpu.memref_slice %arg2[%dma_start3A_432, %dma_start3A_433] : memref<10000x128xbf16, #tpu.memory_space<hbm>> -> memref<10000x128xbf16, #tpu.memory_space<hbm>>
        tpu.enqueue_indirect_dma source(%dma_start3A_434 : memref<10000x128xbf16, #tpu.memory_space<hbm>>) target(%dma_start3A_424 : memref<125x128xbf16, #tpu.memory_space<vmem>>) offsets(%dma_start3A_431 : memref<125xi32, #tpu.memory_space<vmem>>) semaphore(%arg15 : memref<!tpu.dma_semaphore, #tpu.memory_space<semaphore_mem>>)
      } else {
      }
      %ge3A_210 = arith.constant 1 : i32
      %ge3A_211 = arith.cmpi sge, %scan3A_185, %ge3A_210 : i32
      %convert_element_type3A_212 = arith.extui %ge3A_211 : i1 to i32
      %cond3A_213 = arith.constant 0 : i32
      %cond3A_214 = arith.cmpi ne, %convert_element_type3A_212, %cond3A_213 : i32
      scf.if %cond3A_214 {
        %dma_wait3A_331 = arith.constant 0 : i32
        %dma_wait3A_332 = arith.constant 0 : i32
        %dma_wait3A_333 = arith.constant 0 : i32
        %dma_wait3A_334 = tpu.memref_slice %arg10[%dma_wait3A_331, %dma_wait3A_332, %dma_wait3A_333] : memref<2x4x125xi32, #tpu.memory_space<vmem>> -> memref<1x4x125xi32, #tpu.memory_space<vmem>>
        %dma_wait3A_335 = tpu.memref_squeeze %dma_wait3A_334 : memref<1x4x125xi32, #tpu.memory_space<vmem>> -> memref<4x125xi32, #tpu.memory_space<vmem>>
        %dma_wait3A_336 = arith.constant 0 : i32
        %dma_wait3A_337 = arith.constant 0 : i32
        %dma_wait3A_338 = tpu.memref_slice %arg3[%scan3A_140, %dma_wait3A_336, %dma_wait3A_337] : memref<2x2560x125xi32, #tpu.memory_space<hbm>> -> memref<1x2560x125xi32, #tpu.memory_space<hbm>>
        %dma_wait3A_339 = tpu.memref_squeeze %dma_wait3A_338 : memref<1x2560x125xi32, #tpu.memory_space<hbm>> -> memref<2560x125xi32, #tpu.memory_space<hbm>>
        %dma_wait3A_340 = arith.constant 0 : i32
        %dma_wait3A_341 = arith.constant 0 : i32
        %dma_wait3A_342 = tpu.memref_slice %dma_wait3A_339[%dma_wait3A_340, %dma_wait3A_341] : memref<2560x125xi32, #tpu.memory_space<hbm>> -> memref<4x125xi32, #tpu.memory_space<hbm>>
        %dma_wait3A_343 = arith.constant 0 : i32
        %dma_wait3A_344 = arith.constant 0 : i32
        %dma_wait3A_345 = tpu.memref_slice %arg10[%dma_wait3A_331, %dma_wait3A_343, %dma_wait3A_344] : memref<2x4x125xi32, #tpu.memory_space<vmem>> -> memref<1x4x125xi32, #tpu.memory_space<vmem>>
        %dma_wait3A_346 = tpu.memref_squeeze %dma_wait3A_345 : memref<1x4x125xi32, #tpu.memory_space<vmem>> -> memref<4x125xi32, #tpu.memory_space<vmem>>
        %dma_wait3A_347 = arith.constant 0 : i32
        %dma_wait3A_348 = arith.constant 0 : i32
        %dma_wait3A_349 = tpu.memref_slice %arg3[%scan3A_140, %dma_wait3A_347, %dma_wait3A_348] : memref<2x2560x125xi32, #tpu.memory_space<hbm>> -> memref<1x2560x125xi32, #tpu.memory_space<hbm>>
        %dma_wait3A_350 = tpu.memref_squeeze %dma_wait3A_349 : memref<1x2560x125xi32, #tpu.memory_space<hbm>> -> memref<2560x125xi32, #tpu.memory_space<hbm>>
        %dma_wait3A_351 = arith.constant 0 : i32
        %dma_wait3A_352 = arith.constant 0 : i32
        %dma_wait3A_353 = tpu.memref_slice %dma_wait3A_350[%dma_wait3A_351, %dma_wait3A_352] : memref<2560x125xi32, #tpu.memory_space<hbm>> -> memref<4x125xi32, #tpu.memory_space<hbm>>
        tpu.wait_dma2 semaphore(%arg19 : memref<!tpu.dma_semaphore, #tpu.memory_space<semaphore_mem>>) src(%dma_wait3A_353 : memref<4x125xi32, #tpu.memory_space<hbm>>) dst(%dma_wait3A_346 : memref<4x125xi32, #tpu.memory_space<vmem>>)
      } else {
      }
      %dma_start3A_215 = arith.constant 0 : i32
      %dma_start3A_216 = arith.constant 0 : i32
      %dma_start3A_217 = arith.constant 0 : i32
      %dma_start3A_218 = tpu.memref_slice %arg11[%rem3A_186, %dma_start3A_216, %dma_start3A_217] : memref<2x500x128xbf16, #tpu.memory_space<vmem>> -> memref<1x500x128xbf16, #tpu.memory_space<vmem>>
      %dma_start3A_219 = tpu.memref_squeeze %dma_start3A_218 : memref<1x500x128xbf16, #tpu.memory_space<vmem>> -> memref<500x128xbf16, #tpu.memory_space<vmem>>
      %dma_start3A_220 = arith.constant 0 : i32
      %dma_start3A_221 = arith.constant 0 : i32
      %dma_start3A_222 = tpu.memref_slice %dma_start3A_219[%dma_start3A_220, %dma_start3A_221] : memref<500x128xbf16, #tpu.memory_space<vmem>> -> memref<125x128xbf16, #tpu.memory_space<vmem>>
      %dma_start3A_223 = arith.constant 0 : i32
      %dma_start3A_224 = arith.constant 0 : i32
      %dma_start3A_225 = tpu.memref_slice %arg10[%rem3A_186, %dma_start3A_223, %dma_start3A_224] : memref<2x4x125xi32, #tpu.memory_space<vmem>> -> memref<1x4x125xi32, #tpu.memory_space<vmem>>
      %dma_start3A_226 = tpu.memref_squeeze %dma_start3A_225 : memref<1x4x125xi32, #tpu.memory_space<vmem>> -> memref<4x125xi32, #tpu.memory_space<vmem>>
      %dma_start3A_227 = arith.constant 0 : i32
      %dma_start3A_228 = tpu.memref_slice %dma_start3A_226[%dma_start3A_215, %dma_start3A_227] : memref<4x125xi32, #tpu.memory_space<vmem>> -> memref<1x125xi32, #tpu.memory_space<vmem>>
      %dma_start3A_229 = tpu.memref_squeeze %dma_start3A_228 : memref<1x125xi32, #tpu.memory_space<vmem>> -> memref<125xi32, #tpu.memory_space<vmem>>
      %dma_start3A_230 = arith.constant 0 : i32
      %dma_start3A_231 = arith.constant 0 : i32
      %dma_start3A_232 = tpu.memref_slice %arg13[%dma_start3A_230, %dma_start3A_231] : memref<10240x128xbf16, #tpu.memory_space<vmem_shared>> -> memref<10240x128xbf16, #tpu.memory_space<vmem_shared>>
      tpu.enqueue_indirect_dma source(%dma_start3A_222 : memref<125x128xbf16, #tpu.memory_space<vmem>>) target(%dma_start3A_232 : memref<10240x128xbf16, #tpu.memory_space<vmem_shared>>) offsets(%dma_start3A_229 : memref<125xi32, #tpu.memory_space<vmem>>) semaphore(%arg16 : memref<!tpu.dma_semaphore, #tpu.memory_space<semaphore_mem>>) {add = true}
      %dma_start3A_233 = arith.constant 1 : i32
      %dma_start3A_234 = arith.constant 0 : i32
      %dma_start3A_235 = arith.constant 0 : i32
      %dma_start3A_236 = tpu.memref_slice %arg11[%rem3A_186, %dma_start3A_234, %dma_start3A_235] : memref<2x500x128xbf16, #tpu.memory_space<vmem>> -> memref<1x500x128xbf16, #tpu.memory_space<vmem>>
      %dma_start3A_237 = tpu.memref_squeeze %dma_start3A_236 : memref<1x500x128xbf16, #tpu.memory_space<vmem>> -> memref<500x128xbf16, #tpu.memory_space<vmem>>
      %dma_start3A_238 = arith.constant 125 : i32
      %dma_start3A_239 = arith.constant 0 : i32
      %dma_start3A_240 = tpu.memref_slice %dma_start3A_237[%dma_start3A_238, %dma_start3A_239] : memref<500x128xbf16, #tpu.memory_space<vmem>> -> memref<125x128xbf16, #tpu.memory_space<vmem>>
      %dma_start3A_241 = arith.constant 0 : i32
      %dma_start3A_242 = arith.constant 0 : i32
      %dma_start3A_243 = tpu.memref_slice %arg10[%rem3A_186, %dma_start3A_241, %dma_start3A_242] : memref<2x4x125xi32, #tpu.memory_space<vmem>> -> memref<1x4x125xi32, #tpu.memory_space<vmem>>
      %dma_start3A_244 = tpu.memref_squeeze %dma_start3A_243 : memref<1x4x125xi32, #tpu.memory_space<vmem>> -> memref<4x125xi32, #tpu.memory_space<vmem>>
      %dma_start3A_245 = arith.constant 0 : i32
      %dma_start3A_246 = tpu.memref_slice %dma_start3A_244[%dma_start3A_233, %dma_start3A_245] : memref<4x125xi32, #tpu.memory_space<vmem>> -> memref<1x125xi32, #tpu.memory_space<vmem>>
      %dma_start3A_247 = tpu.memref_squeeze %dma_start3A_246 : memref<1x125xi32, #tpu.memory_space<vmem>> -> memref<125xi32, #tpu.memory_space<vmem>>
      %dma_start3A_248 = arith.constant 0 : i32
      %dma_start3A_249 = arith.constant 0 : i32
      %dma_start3A_250 = tpu.memref_slice %arg13[%dma_start3A_248, %dma_start3A_249] : memref<10240x128xbf16, #tpu.memory_space<vmem_shared>> -> memref<10240x128xbf16, #tpu.memory_space<vmem_shared>>
      tpu.enqueue_indirect_dma source(%dma_start3A_240 : memref<125x128xbf16, #tpu.memory_space<vmem>>) target(%dma_start3A_250 : memref<10240x128xbf16, #tpu.memory_space<vmem_shared>>) offsets(%dma_start3A_247 : memref<125xi32, #tpu.memory_space<vmem>>) semaphore(%arg16 : memref<!tpu.dma_semaphore, #tpu.memory_space<semaphore_mem>>) {add = true}
      %dma_start3A_251 = arith.constant 2 : i32
      %dma_start3A_252 = arith.constant 0 : i32
      %dma_start3A_253 = arith.constant 0 : i32
      %dma_start3A_254 = tpu.memref_slice %arg11[%rem3A_186, %dma_start3A_252, %dma_start3A_253] : memref<2x500x128xbf16, #tpu.memory_space<vmem>> -> memref<1x500x128xbf16, #tpu.memory_space<vmem>>
      %dma_start3A_255 = tpu.memref_squeeze %dma_start3A_254 : memref<1x500x128xbf16, #tpu.memory_space<vmem>> -> memref<500x128xbf16, #tpu.memory_space<vmem>>
      %dma_start3A_256 = arith.constant 250 : i32
      %dma_start3A_257 = arith.constant 0 : i32
      %dma_start3A_258 = tpu.memref_slice %dma_start3A_255[%dma_start3A_256, %dma_start3A_257] : memref<500x128xbf16, #tpu.memory_space<vmem>> -> memref<125x128xbf16, #tpu.memory_space<vmem>>
      %dma_start3A_259 = arith.constant 0 : i32
      %dma_start3A_260 = arith.constant 0 : i32
      %dma_start3A_261 = tpu.memref_slice %arg10[%rem3A_186, %dma_start3A_259, %dma_start3A_260] : memref<2x4x125xi32, #tpu.memory_space<vmem>> -> memref<1x4x125xi32, #tpu.memory_space<vmem>>
      %dma_start3A_262 = tpu.memref_squeeze %dma_start3A_261 : memref<1x4x125xi32, #tpu.memory_space<vmem>> -> memref<4x125xi32, #tpu.memory_space<vmem>>
      %dma_start3A_263 = arith.constant 0 : i32
      %dma_start3A_264 = tpu.memref_slice %dma_start3A_262[%dma_start3A_251, %dma_start3A_263] : memref<4x125xi32, #tpu.memory_space<vmem>> -> memref<1x125xi32, #tpu.memory_space<vmem>>
      %dma_start3A_265 = tpu.memref_squeeze %dma_start3A_264 : memref<1x125xi32, #tpu.memory_space<vmem>> -> memref<125xi32, #tpu.memory_space<vmem>>
      %dma_start3A_266 = arith.constant 0 : i32
      %dma_start3A_267 = arith.constant 0 : i32
      %dma_start3A_268 = tpu.memref_slice %arg13[%dma_start3A_266, %dma_start3A_267] : memref<10240x128xbf16, #tpu.memory_space<vmem_shared>> -> memref<10240x128xbf16, #tpu.memory_space<vmem_shared>>
      tpu.enqueue_indirect_dma source(%dma_start3A_258 : memref<125x128xbf16, #tpu.memory_space<vmem>>) target(%dma_start3A_268 : memref<10240x128xbf16, #tpu.memory_space<vmem_shared>>) offsets(%dma_start3A_265 : memref<125xi32, #tpu.memory_space<vmem>>) semaphore(%arg16 : memref<!tpu.dma_semaphore, #tpu.memory_space<semaphore_mem>>) {add = true}
      %dma_start3A_269 = arith.constant 3 : i32
      %dma_start3A_270 = arith.constant 0 : i32
      %dma_start3A_271 = arith.constant 0 : i32
      %dma_start3A_272 = tpu.memref_slice %arg11[%rem3A_186, %dma_start3A_270, %dma_start3A_271] : memref<2x500x128xbf16, #tpu.memory_space<vmem>> -> memref<1x500x128xbf16, #tpu.memory_space<vmem>>
      %dma_start3A_273 = tpu.memref_squeeze %dma_start3A_272 : memref<1x500x128xbf16, #tpu.memory_space<vmem>> -> memref<500x128xbf16, #tpu.memory_space<vmem>>
      %dma_start3A_274 = arith.constant 375 : i32
      %dma_start3A_275 = arith.constant 0 : i32
      %dma_start3A_276 = tpu.memref_slice %dma_start3A_273[%dma_start3A_274, %dma_start3A_275] : memref<500x128xbf16, #tpu.memory_space<vmem>> -> memref<125x128xbf16, #tpu.memory_space<vmem>>
      %dma_start3A_277 = arith.constant 0 : i32
      %dma_start3A_278 = arith.constant 0 : i32
      %dma_start3A_279 = tpu.memref_slice %arg10[%rem3A_186, %dma_start3A_277, %dma_start3A_278] : memref<2x4x125xi32, #tpu.memory_space<vmem>> -> memref<1x4x125xi32, #tpu.memory_space<vmem>>
      %dma_start3A_280 = tpu.memref_squeeze %dma_start3A_279 : memref<1x4x125xi32, #tpu.memory_space<vmem>> -> memref<4x125xi32, #tpu.memory_space<vmem>>
      %dma_start3A_281 = arith.constant 0 : i32
      %dma_start3A_282 = tpu.memref_slice %dma_start3A_280[%dma_start3A_269, %dma_start3A_281] : memref<4x125xi32, #tpu.memory_space<vmem>> -> memref<1x125xi32, #tpu.memory_space<vmem>>
      %dma_start3A_283 = tpu.memref_squeeze %dma_start3A_282 : memref<1x125xi32, #tpu.memory_space<vmem>> -> memref<125xi32, #tpu.memory_space<vmem>>
      %dma_start3A_284 = arith.constant 0 : i32
      %dma_start3A_285 = arith.constant 0 : i32
      %dma_start3A_286 = tpu.memref_slice %arg13[%dma_start3A_284, %dma_start3A_285] : memref<10240x128xbf16, #tpu.memory_space<vmem_shared>> -> memref<10240x128xbf16, #tpu.memory_space<vmem_shared>>
      tpu.enqueue_indirect_dma source(%dma_start3A_276 : memref<125x128xbf16, #tpu.memory_space<vmem>>) target(%dma_start3A_286 : memref<10240x128xbf16, #tpu.memory_space<vmem_shared>>) offsets(%dma_start3A_283 : memref<125xi32, #tpu.memory_space<vmem>>) semaphore(%arg16 : memref<!tpu.dma_semaphore, #tpu.memory_space<semaphore_mem>>) {add = true}
      %dma_start3A_287 = arith.constant 0 : i32
      %dma_start3A_288 = arith.constant 0 : i32
      %dma_start3A_289 = arith.constant 0 : i32
      %dma_start3A_290 = tpu.memref_slice %arg10[%rem3A_186, %dma_start3A_288, %dma_start3A_289] : memref<2x4x125xi32, #tpu.memory_space<vmem>> -> memref<1x4x125xi32, #tpu.memory_space<vmem>>
      %dma_start3A_291 = tpu.memref_squeeze %dma_start3A_290 : memref<1x4x125xi32, #tpu.memory_space<vmem>> -> memref<4x125xi32, #tpu.memory_space<vmem>>
      %dma_start3A_292 = arith.constant 0 : i32
      %dma_start3A_293 = tpu.memref_slice %dma_start3A_291[%dma_start3A_287, %dma_start3A_292] : memref<4x125xi32, #tpu.memory_space<vmem>> -> memref<1x125xi32, #tpu.memory_space<vmem>>
      %dma_start3A_294 = tpu.memref_squeeze %dma_start3A_293 : memref<1x125xi32, #tpu.memory_space<vmem>> -> memref<125xi32, #tpu.memory_space<vmem>>
      %dma_start3A_295 = arith.constant 0 : i32
      %dma_start3A_296 = arith.constant 0 : i32
      %dma_start3A_297 = tpu.memref_slice %arg14[%dma_start3A_295, %dma_start3A_296] : memref<10240x16xf32, #tpu.memory_space<vmem_shared>> -> memref<10240x16xf32, #tpu.memory_space<vmem_shared>>
      tpu.enqueue_indirect_dma source(%arg12 : memref<125x16xf32, #tpu.memory_space<vmem>>) target(%dma_start3A_297 : memref<10240x16xf32, #tpu.memory_space<vmem_shared>>) offsets(%dma_start3A_294 : memref<125xi32, #tpu.memory_space<vmem>>) semaphore(%arg17 : memref<!tpu.dma_semaphore, #tpu.memory_space<semaphore_mem>>) {add = true}
      %dma_start3A_298 = arith.constant 1 : i32
      %dma_start3A_299 = arith.constant 0 : i32
      %dma_start3A_300 = arith.constant 0 : i32
      %dma_start3A_301 = tpu.memref_slice %arg10[%rem3A_186, %dma_start3A_299, %dma_start3A_300] : memref<2x4x125xi32, #tpu.memory_space<vmem>> -> memref<1x4x125xi32, #tpu.memory_space<vmem>>
      %dma_start3A_302 = tpu.memref_squeeze %dma_start3A_301 : memref<1x4x125xi32, #tpu.memory_space<vmem>> -> memref<4x125xi32, #tpu.memory_space<vmem>>
      %dma_start3A_303 = arith.constant 0 : i32
      %dma_start3A_304 = tpu.memref_slice %dma_start3A_302[%dma_start3A_298, %dma_start3A_303] : memref<4x125xi32, #tpu.memory_space<vmem>> -> memref<1x125xi32, #tpu.memory_space<vmem>>
      %dma_start3A_305 = tpu.memref_squeeze %dma_start3A_304 : memref<1x125xi32, #tpu.memory_space<vmem>> -> memref<125xi32, #tpu.memory_space<vmem>>
      %dma_start3A_306 = arith.constant 0 : i32
      %dma_start3A_307 = arith.constant 0 : i32
      %dma_start3A_308 = tpu.memref_slice %arg14[%dma_start3A_306, %dma_start3A_307] : memref<10240x16xf32, #tpu.memory_space<vmem_shared>> -> memref<10240x16xf32, #tpu.memory_space<vmem_shared>>
      tpu.enqueue_indirect_dma source(%arg12 : memref<125x16xf32, #tpu.memory_space<vmem>>) target(%dma_start3A_308 : memref<10240x16xf32, #tpu.memory_space<vmem_shared>>) offsets(%dma_start3A_305 : memref<125xi32, #tpu.memory_space<vmem>>) semaphore(%arg17 : memref<!tpu.dma_semaphore, #tpu.memory_space<semaphore_mem>>) {add = true}
      %dma_start3A_309 = arith.constant 2 : i32
      %dma_start3A_310 = arith.constant 0 : i32
      %dma_start3A_311 = arith.constant 0 : i32
      %dma_start3A_312 = tpu.memref_slice %arg10[%rem3A_186, %dma_start3A_310, %dma_start3A_311] : memref<2x4x125xi32, #tpu.memory_space<vmem>> -> memref<1x4x125xi32, #tpu.memory_space<vmem>>
      %dma_start3A_313 = tpu.memref_squeeze %dma_start3A_312 : memref<1x4x125xi32, #tpu.memory_space<vmem>> -> memref<4x125xi32, #tpu.memory_space<vmem>>
      %dma_start3A_314 = arith.constant 0 : i32
      %dma_start3A_315 = tpu.memref_slice %dma_start3A_313[%dma_start3A_309, %dma_start3A_314] : memref<4x125xi32, #tpu.memory_space<vmem>> -> memref<1x125xi32, #tpu.memory_space<vmem>>
      %dma_start3A_316 = tpu.memref_squeeze %dma_start3A_315 : memref<1x125xi32, #tpu.memory_space<vmem>> -> memref<125xi32, #tpu.memory_space<vmem>>
      %dma_start3A_317 = arith.constant 0 : i32
      %dma_start3A_318 = arith.constant 0 : i32
      %dma_start3A_319 = tpu.memref_slice %arg14[%dma_start3A_317, %dma_start3A_318] : memref<10240x16xf32, #tpu.memory_space<vmem_shared>> -> memref<10240x16xf32, #tpu.memory_space<vmem_shared>>
      tpu.enqueue_indirect_dma source(%arg12 : memref<125x16xf32, #tpu.memory_space<vmem>>) target(%dma_start3A_319 : memref<10240x16xf32, #tpu.memory_space<vmem_shared>>) offsets(%dma_start3A_316 : memref<125xi32, #tpu.memory_space<vmem>>) semaphore(%arg17 : memref<!tpu.dma_semaphore, #tpu.memory_space<semaphore_mem>>) {add = true}
      %dma_start3A_320 = arith.constant 3 : i32
      %dma_start3A_321 = arith.constant 0 : i32
      %dma_start3A_322 = arith.constant 0 : i32
      %dma_start3A_323 = tpu.memref_slice %arg10[%rem3A_186, %dma_start3A_321, %dma_start3A_322] : memref<2x4x125xi32, #tpu.memory_space<vmem>> -> memref<1x4x125xi32, #tpu.memory_space<vmem>>
      %dma_start3A_324 = tpu.memref_squeeze %dma_start3A_323 : memref<1x4x125xi32, #tpu.memory_space<vmem>> -> memref<4x125xi32, #tpu.memory_space<vmem>>
      %dma_start3A_325 = arith.constant 0 : i32
      %dma_start3A_326 = tpu.memref_slice %dma_start3A_324[%dma_start3A_320, %dma_start3A_325] : memref<4x125xi32, #tpu.memory_space<vmem>> -> memref<1x125xi32, #tpu.memory_space<vmem>>
      %dma_start3A_327 = tpu.memref_squeeze %dma_start3A_326 : memref<1x125xi32, #tpu.memory_space<vmem>> -> memref<125xi32, #tpu.memory_space<vmem>>
      %dma_start3A_328 = arith.constant 0 : i32
      %dma_start3A_329 = arith.constant 0 : i32
      %dma_start3A_330 = tpu.memref_slice %arg14[%dma_start3A_328, %dma_start3A_329] : memref<10240x16xf32, #tpu.memory_space<vmem_shared>> -> memref<10240x16xf32, #tpu.memory_space<vmem_shared>>
      tpu.enqueue_indirect_dma source(%arg12 : memref<125x16xf32, #tpu.memory_space<vmem>>) target(%dma_start3A_330 : memref<10240x16xf32, #tpu.memory_space<vmem_shared>>) offsets(%dma_start3A_327 : memref<125xi32, #tpu.memory_space<vmem>>) semaphore(%arg17 : memref<!tpu.dma_semaphore, #tpu.memory_space<semaphore_mem>>) {add = true}
    }
    %scan3A_145 = arith.constant 20 : i32
    %dma_wait3A = arith.constant 0 : i32
    %dma_wait3A_146 = arith.constant 0 : i32
    %dma_wait3A_147 = arith.constant 0 : i32
    %dma_wait3A_148 = tpu.memref_slice %arg11[%dma_wait3A, %dma_wait3A_146, %dma_wait3A_147] : memref<2x500x128xbf16, #tpu.memory_space<vmem>> -> memref<1x500x128xbf16, #tpu.memory_space<vmem>>
    %dma_wait3A_149 = tpu.memref_squeeze %dma_wait3A_148 : memref<1x500x128xbf16, #tpu.memory_space<vmem>> -> memref<500x128xbf16, #tpu.memory_space<vmem>>
    %dma_wait3A_150 = arith.constant 0 : i32
    %dma_wait3A_151 = arith.constant 0 : i32
    %dma_wait3A_152 = tpu.memref_slice %arg2[%dma_wait3A_150, %dma_wait3A_151] : memref<10000x128xbf16, #tpu.memory_space<hbm>> -> memref<500x128xbf16, #tpu.memory_space<hbm>>
    %dma_wait3A_153 = arith.constant 0 : i32
    %dma_wait3A_154 = arith.constant 0 : i32
    %dma_wait3A_155 = tpu.memref_slice %arg11[%dma_wait3A, %dma_wait3A_153, %dma_wait3A_154] : memref<2x500x128xbf16, #tpu.memory_space<vmem>> -> memref<1x500x128xbf16, #tpu.memory_space<vmem>>
    %dma_wait3A_156 = tpu.memref_squeeze %dma_wait3A_155 : memref<1x500x128xbf16, #tpu.memory_space<vmem>> -> memref<500x128xbf16, #tpu.memory_space<vmem>>
    %dma_wait3A_157 = arith.constant 0 : i32
    %dma_wait3A_158 = arith.constant 0 : i32
    %dma_wait3A_159 = tpu.memref_slice %arg2[%dma_wait3A_157, %dma_wait3A_158] : memref<10000x128xbf16, #tpu.memory_space<hbm>> -> memref<500x128xbf16, #tpu.memory_space<hbm>>
    tpu.wait_dma2 semaphore(%arg16 : memref<!tpu.dma_semaphore, #tpu.memory_space<semaphore_mem>>) src(%dma_wait3A_159 : memref<500x128xbf16, #tpu.memory_space<hbm>>) dst(%dma_wait3A_156 : memref<500x128xbf16, #tpu.memory_space<vmem>>)
    %dma_wait3A_160 = arith.constant 0 : i32
    %dma_wait3A_161 = arith.constant 0 : i32
    %dma_wait3A_162 = tpu.memref_slice %arg5[%dma_wait3A_160, %dma_wait3A_161] : memref<640x16xf32, #tpu.memory_space<hbm>> -> memref<125x16xf32, #tpu.memory_space<hbm>>
    %dma_wait3A_163 = arith.constant 0 : i32
    %dma_wait3A_164 = arith.constant 0 : i32
    %dma_wait3A_165 = tpu.memref_slice %arg5[%dma_wait3A_163, %dma_wait3A_164] : memref<640x16xf32, #tpu.memory_space<hbm>> -> memref<125x16xf32, #tpu.memory_space<hbm>>
    tpu.wait_dma2 semaphore(%arg17 : memref<!tpu.dma_semaphore, #tpu.memory_space<semaphore_mem>>) src(%dma_wait3A_165 : memref<125x16xf32, #tpu.memory_space<hbm>>) dst(%arg12 : memref<125x16xf32, #tpu.memory_space<vmem>>)
    %dma_wait3A_166 = arith.constant 0 : i32
    %dma_wait3A_167 = arith.constant 0 : i32
    %dma_wait3A_168 = tpu.memref_slice %arg5[%dma_wait3A_166, %dma_wait3A_167] : memref<640x16xf32, #tpu.memory_space<hbm>> -> memref<125x16xf32, #tpu.memory_space<hbm>>
    %dma_wait3A_169 = arith.constant 0 : i32
    %dma_wait3A_170 = arith.constant 0 : i32
    %dma_wait3A_171 = tpu.memref_slice %arg5[%dma_wait3A_169, %dma_wait3A_170] : memref<640x16xf32, #tpu.memory_space<hbm>> -> memref<125x16xf32, #tpu.memory_space<hbm>>
    tpu.wait_dma2 semaphore(%arg17 : memref<!tpu.dma_semaphore, #tpu.memory_space<semaphore_mem>>) src(%dma_wait3A_171 : memref<125x16xf32, #tpu.memory_space<hbm>>) dst(%arg12 : memref<125x16xf32, #tpu.memory_space<vmem>>)
    %dma_wait3A_172 = arith.constant 0 : i32
    %dma_wait3A_173 = arith.constant 0 : i32
    %dma_wait3A_174 = tpu.memref_slice %arg5[%dma_wait3A_172, %dma_wait3A_173] : memref<640x16xf32, #tpu.memory_space<hbm>> -> memref<125x16xf32, #tpu.memory_space<hbm>>
    %dma_wait3A_175 = arith.constant 0 : i32
    %dma_wait3A_176 = arith.constant 0 : i32
    %dma_wait3A_177 = tpu.memref_slice %arg5[%dma_wait3A_175, %dma_wait3A_176] : memref<640x16xf32, #tpu.memory_space<hbm>> -> memref<125x16xf32, #tpu.memory_space<hbm>>
    tpu.wait_dma2 semaphore(%arg17 : memref<!tpu.dma_semaphore, #tpu.memory_space<semaphore_mem>>) src(%dma_wait3A_177 : memref<125x16xf32, #tpu.memory_space<hbm>>) dst(%arg12 : memref<125x16xf32, #tpu.memory_space<vmem>>)
    %dma_wait3A_178 = arith.constant 0 : i32
    %dma_wait3A_179 = arith.constant 0 : i32
    %dma_wait3A_180 = tpu.memref_slice %arg5[%dma_wait3A_178, %dma_wait3A_179] : memref<640x16xf32, #tpu.memory_space<hbm>> -> memref<125x16xf32, #tpu.memory_space<hbm>>
    %dma_wait3A_181 = arith.constant 0 : i32
    %dma_wait3A_182 = arith.constant 0 : i32
    %dma_wait3A_183 = tpu.memref_slice %arg5[%dma_wait3A_181, %dma_wait3A_182] : memref<640x16xf32, #tpu.memory_space<hbm>> -> memref<125x16xf32, #tpu.memory_space<hbm>>
    tpu.wait_dma2 semaphore(%arg17 : memref<!tpu.dma_semaphore, #tpu.memory_space<semaphore_mem>>) src(%dma_wait3A_183 : memref<125x16xf32, #tpu.memory_space<hbm>>) dst(%arg12 : memref<125x16xf32, #tpu.memory_space<vmem>>)
    %barrier3A_184 = arith.constant 0 : index
    tpu.barrier barrier_id(%barrier3A_184)
    "tpu.region"() ({
      %run_scoped3A_185 = tpu.sem_alloc : memref<!tpu.dma_semaphore, #tpu.memory_space<semaphore_mem>>
      %dma_start3A_186 = arith.constant 0 : i32
      %dma_start3A_187 = tpu.memref_slice %arg7[%arg0, %mul3A_4, %dma_start3A_186] : memref<2x10240x128xbf16, #tpu.memory_space<hbm>> -> memref<1x640x128xbf16, #tpu.memory_space<hbm>>
      %dma_start3A_188 = tpu.memref_squeeze %dma_start3A_187 : memref<1x640x128xbf16, #tpu.memory_space<hbm>> -> memref<640x128xbf16, #tpu.memory_space<hbm>>
      %dma_start3A_189 = arith.constant 0 : i32
      %dma_start3A_190 = tpu.memref_slice %arg13[%mul3A_4, %dma_start3A_189] : memref<10240x128xbf16, #tpu.memory_space<vmem_shared>> -> memref<640x128xbf16, #tpu.memory_space<vmem_shared>>
      tpu.enqueue_dma source(%dma_start3A_190 : memref<640x128xbf16, #tpu.memory_space<vmem_shared>>) target(%dma_start3A_188 : memref<640x128xbf16, #tpu.memory_space<hbm>>) target_semaphore(%run_scoped3A_185 : memref<!tpu.dma_semaphore, #tpu.memory_space<semaphore_mem>>)
      %dma_wait3A_191 = arith.constant 0 : i32
      %dma_wait3A_192 = tpu.memref_slice %arg7[%arg0, %mul3A_4, %dma_wait3A_191] : memref<2x10240x128xbf16, #tpu.memory_space<hbm>> -> memref<1x640x128xbf16, #tpu.memory_space<hbm>>
      %dma_wait3A_193 = tpu.memref_squeeze %dma_wait3A_192 : memref<1x640x128xbf16, #tpu.memory_space<hbm>> -> memref<640x128xbf16, #tpu.memory_space<hbm>>
      %dma_wait3A_194 = arith.constant 0 : i32
      %dma_wait3A_195 = tpu.memref_slice %arg13[%mul3A_4, %dma_wait3A_194] : memref<10240x128xbf16, #tpu.memory_space<vmem_shared>> -> memref<640x128xbf16, #tpu.memory_space<vmem_shared>>
      tpu.wait_dma2 semaphore(%run_scoped3A_185 : memref<!tpu.dma_semaphore, #tpu.memory_space<semaphore_mem>>) src(%dma_wait3A_195 : memref<640x128xbf16, #tpu.memory_space<vmem_shared>>) dst(%dma_wait3A_193 : memref<640x128xbf16, #tpu.memory_space<hbm>>)
      tpu.yield
    }) : () -> ()
    "tpu.region"() ({
      %run_scoped3A_185 = tpu.sem_alloc : memref<!tpu.dma_semaphore, #tpu.memory_space<semaphore_mem>>
      %dma_start3A_186 = arith.constant 0 : i32
      %dma_start3A_187 = tpu.memref_slice %arg8[%arg0, %mul3A_4, %dma_start3A_186] : memref<2x10240x16xf32, #tpu.memory_space<hbm>> -> memref<1x640x16xf32, #tpu.memory_space<hbm>>
      %dma_start3A_188 = tpu.memref_squeeze %dma_start3A_187 : memref<1x640x16xf32, #tpu.memory_space<hbm>> -> memref<640x16xf32, #tpu.memory_space<hbm>>
      %dma_start3A_189 = arith.constant 0 : i32
      %dma_start3A_190 = tpu.memref_slice %arg14[%mul3A_4, %dma_start3A_189] : memref<10240x16xf32, #tpu.memory_space<vmem_shared>> -> memref<640x16xf32, #tpu.memory_space<vmem_shared>>
      tpu.enqueue_dma source(%dma_start3A_190 : memref<640x16xf32, #tpu.memory_space<vmem_shared>>) target(%dma_start3A_188 : memref<640x16xf32, #tpu.memory_space<hbm>>) target_semaphore(%run_scoped3A_185 : memref<!tpu.dma_semaphore, #tpu.memory_space<semaphore_mem>>)
      %dma_wait3A_191 = arith.constant 0 : i32
      %dma_wait3A_192 = tpu.memref_slice %arg8[%arg0, %mul3A_4, %dma_wait3A_191] : memref<2x10240x16xf32, #tpu.memory_space<hbm>> -> memref<1x640x16xf32, #tpu.memory_space<hbm>>
      %dma_wait3A_193 = tpu.memref_squeeze %dma_wait3A_192 : memref<1x640x16xf32, #tpu.memory_space<hbm>> -> memref<640x16xf32, #tpu.memory_space<hbm>>
      %dma_wait3A_194 = arith.constant 0 : i32
      %dma_wait3A_195 = tpu.memref_slice %arg14[%mul3A_4, %dma_wait3A_194] : memref<10240x16xf32, #tpu.memory_space<vmem_shared>> -> memref<640x16xf32, #tpu.memory_space<vmem_shared>>
      tpu.wait_dma2 semaphore(%run_scoped3A_185 : memref<!tpu.dma_semaphore, #tpu.memory_space<semaphore_mem>>) src(%dma_wait3A_195 : memref<640x16xf32, #tpu.memory_space<vmem_shared>>) dst(%dma_wait3A_193 : memref<640x16xf32, #tpu.memory_space<hbm>>)
      tpu.yield
    }) : () -> ()
    return
  }
}

module attributes {stable_mosaic.version = 14 : i64} {
  func.func @_tc_body(%arg0: i32, %arg1: memref<2x2000x128xbf16, #tpu.memory_space<vmem>>, %arg2: memref<2x2000x16xf32, #tpu.memory_space<vmem>>, %arg3: memref<2000x128xf32, #tpu.memory_space<vmem>>, %arg4: memref<128x128xf32, #tpu.memory_space<vmem>>, %arg5: memref<1x128xf32, #tpu.memory_space<vmem>>, %arg6: memref<1x128xf32, #tpu.memory_space<vmem>>, %arg7: memref<1x128xf32, #tpu.memory_space<vmem>>, %arg8: memref<1x128xf32, #tpu.memory_space<vmem>>, %arg9: memref<1x128xf32, #tpu.memory_space<vmem>>, %arg10: memref<128x256xf32, #tpu.memory_space<vmem>>, %arg11: memref<1x256xf32, #tpu.memory_space<vmem>>, %arg12: memref<256x128xf32, #tpu.memory_space<vmem>>, %arg13: memref<1x128xf32, #tpu.memory_space<vmem>>, %arg14: memref<1x128xf32, #tpu.memory_space<vmem>>, %arg15: memref<1x128xf32, #tpu.memory_space<vmem>>, %arg16: memref<2000x128xf32, #tpu.memory_space<vmem>>) attributes {dimension_semantics = [#tpu.dimension_semantics<arbitrary>], iteration_bounds = array<i64: 5>, scalar_prefetch = 0 : i64, scratch_operands = 0 : i64, tpu.core_type = #tpu.core_type<tc>, window_params = [{transform_indices = @transform_0, window_bounds = array<i64: 2, 2000, 128>}, {transform_indices = @transform_1, window_bounds = array<i64: 2, 2000, 16>}, {transform_indices = @transform_2, window_bounds = array<i64: 2000, 128>}, {pipeline_mode = #tpu.pipeline_mode<synchronous>, transform_indices = @transform_3, window_bounds = array<i64: 128, 128>}, {pipeline_mode = #tpu.pipeline_mode<synchronous>, transform_indices = @transform_4, window_bounds = array<i64: 1, 128>}, {pipeline_mode = #tpu.pipeline_mode<synchronous>, transform_indices = @transform_5, window_bounds = array<i64: 1, 128>}, {pipeline_mode = #tpu.pipeline_mode<synchronous>, transform_indices = @transform_6, window_bounds = array<i64: 1, 128>}, {pipeline_mode = #tpu.pipeline_mode<synchronous>, transform_indices = @transform_7, window_bounds = array<i64: 1, 128>}, {pipeline_mode = #tpu.pipeline_mode<synchronous>, transform_indices = @transform_8, window_bounds = array<i64: 1, 128>}, {pipeline_mode = #tpu.pipeline_mode<synchronous>, transform_indices = @transform_9, window_bounds = array<i64: 128, 256>}, {pipeline_mode = #tpu.pipeline_mode<synchronous>, transform_indices = @transform_10, window_bounds = array<i64: 1, 256>}, {pipeline_mode = #tpu.pipeline_mode<synchronous>, transform_indices = @transform_11, window_bounds = array<i64: 256, 128>}, {pipeline_mode = #tpu.pipeline_mode<synchronous>, transform_indices = @transform_12, window_bounds = array<i64: 1, 128>}, {pipeline_mode = #tpu.pipeline_mode<synchronous>, transform_indices = @transform_13, window_bounds = array<i64: 1, 128>}, {pipeline_mode = #tpu.pipeline_mode<synchronous>, transform_indices = @transform_14, window_bounds = array<i64: 1, 128>}, {transform_indices = @transform_15, window_bounds = array<i64: 2000, 128>}]} {
    %get3A = arith.constant 0 : index
    %get3A_0 = arith.constant 0 : index
    %get3A_1 = arith.constant 0 : index
    %get3A_2 = vector.load %arg1[%get3A, %get3A_0, %get3A_1] : memref<2x2000x128xbf16, #tpu.memory_space<vmem>>, vector<1x2000x128xbf16>
    %get3A_3 = vector.shape_cast %get3A_2 : vector<1x2000x128xbf16> to vector<2000x128xbf16>
    %convert_element_type3A = arith.extf %get3A_3 : vector<2000x128xbf16> to vector<2000x128xf32>
    %get3A_4 = arith.constant 1 : index
    %get3A_5 = arith.constant 0 : index
    %get3A_6 = arith.constant 0 : index
    %get3A_7 = vector.load %arg1[%get3A_4, %get3A_5, %get3A_6] : memref<2x2000x128xbf16, #tpu.memory_space<vmem>>, vector<1x2000x128xbf16>
    %get3A_8 = vector.shape_cast %get3A_7 : vector<1x2000x128xbf16> to vector<2000x128xbf16>
    %convert_element_type3A_9 = arith.extf %get3A_8 : vector<2000x128xbf16> to vector<2000x128xf32>
    %add3A = arith.addf %convert_element_type3A, %convert_element_type3A_9 : vector<2000x128xf32>
    %get3A_10 = arith.constant 0 : index
    %get3A_11 = arith.constant 0 : index
    %get3A_12 = arith.constant 0 : index
    %get3A_13 = vector.load %arg2[%get3A_10, %get3A_11, %get3A_12] : memref<2x2000x16xf32, #tpu.memory_space<vmem>>, vector<1x2000x1xf32>
    %get3A_14 = vector.shape_cast %get3A_13 : vector<1x2000x1xf32> to vector<2000x1xf32>
    %get3A_15 = arith.constant 1 : index
    %get3A_16 = arith.constant 0 : index
    %get3A_17 = arith.constant 0 : index
    %get3A_18 = vector.load %arg2[%get3A_15, %get3A_16, %get3A_17] : memref<2x2000x16xf32, #tpu.memory_space<vmem>>, vector<1x2000x1xf32>
    %get3A_19 = vector.shape_cast %get3A_18 : vector<1x2000x1xf32> to vector<2000x1xf32>
    %add3A_20 = arith.addf %get3A_14, %get3A_19 : vector<2000x1xf32>
    %max3A = arith.constant 1.000000e+00 : f32
    %max3A_21 = vector.broadcast %max3A : f32 to vector<2000x1xf32>
    %max3A_22 = arith.maximumf %add3A_20, %max3A_21 : vector<2000x1xf32>
    %div3A = vector.broadcast %max3A_22 : vector<2000x1xf32> to vector<2000x128xf32>
    %div3A_23 = arith.divf %add3A, %div3A : vector<2000x128xf32>
    %get3A_24 = arith.constant 0 : index
    %get3A_25 = arith.constant 0 : index
    %get3A_26 = vector.load %arg4[%get3A_24, %get3A_25] : memref<128x128xf32, #tpu.memory_space<vmem>>, vector<128x128xf32>
    %dot_general3A = arith.constant dense<0.000000e+00> : vector<2000x128xf32>
    %dot_general3A_27 = tpu.matmul %div3A_23, %get3A_26, %dot_general3A {dimension_numbers = #tpu.dot_dimension_numbers<[1], [0], [0], [1], [0, 0, 1, 1], [], []>, transpose_lhs_hint = false} : vector<2000x128xf32>, vector<128x128xf32>, vector<2000x128xf32> -> vector<2000x128xf32>
    %get3A_28 = arith.constant 0 : index
    %get3A_29 = arith.constant 0 : index
    %get3A_30 = vector.load %arg5[%get3A_28, %get3A_29] : memref<1x128xf32, #tpu.memory_space<vmem>>, vector<1x128xf32>
    %add3A_31 = vector.broadcast %get3A_30 : vector<1x128xf32> to vector<2000x128xf32>
    %add3A_32 = arith.addf %dot_general3A_27, %add3A_31 : vector<2000x128xf32>
    %get3A_33 = arith.constant 0 : index
    %get3A_34 = arith.constant 0 : index
    %get3A_35 = vector.load %arg6[%get3A_33, %get3A_34] : memref<1x128xf32, #tpu.memory_space<vmem>>, vector<1x128xf32>
    %get3A_36 = arith.constant 0 : index
    %get3A_37 = arith.constant 0 : index
    %get3A_38 = vector.load %arg7[%get3A_36, %get3A_37] : memref<1x128xf32, #tpu.memory_space<vmem>>, vector<1x128xf32>
    %reduce_sum3A = arith.constant dense<0.000000e+00> : vector<2000xf32>
    %reduce_sum3A_39 = vector.multi_reduction <add>, %add3A_32, %reduce_sum3A [1] : vector<2000x128xf32> to vector<2000xf32>
    %broadcast_in_dim3A = vector.shape_cast %reduce_sum3A_39 : vector<2000xf32> to vector<2000x1xf32>
    %div3A_40 = arith.constant 1.280000e+02 : f32
    %div3A_41 = vector.broadcast %div3A_40 : f32 to vector<2000x1xf32>
    %div3A_42 = arith.divf %broadcast_in_dim3A, %div3A_41 : vector<2000x1xf32>
    %sub3A = vector.broadcast %div3A_42 : vector<2000x1xf32> to vector<2000x128xf32>
    %sub3A_43 = arith.subf %add3A_32, %sub3A : vector<2000x128xf32>
    %integer_pow3A = arith.mulf %sub3A_43, %sub3A_43 : vector<2000x128xf32>
    %reduce_sum3A_44 = arith.constant dense<0.000000e+00> : vector<2000xf32>
    %reduce_sum3A_45 = vector.multi_reduction <add>, %integer_pow3A, %reduce_sum3A_44 [1] : vector<2000x128xf32> to vector<2000xf32>
    %broadcast_in_dim3A_46 = vector.shape_cast %reduce_sum3A_45 : vector<2000xf32> to vector<2000x1xf32>
    %div3A_47 = arith.constant 1.280000e+02 : f32
    %div3A_48 = vector.broadcast %div3A_47 : f32 to vector<2000x1xf32>
    %div3A_49 = arith.divf %broadcast_in_dim3A_46, %div3A_48 : vector<2000x1xf32>
    %sub3A_50 = vector.broadcast %div3A_42 : vector<2000x1xf32> to vector<2000x128xf32>
    %sub3A_51 = arith.subf %add3A_32, %sub3A_50 : vector<2000x128xf32>
    %add3A_52 = arith.constant 9.99999974E-6 : f32
    %add3A_53 = vector.broadcast %add3A_52 : f32 to vector<2000x1xf32>
    %add3A_54 = arith.addf %div3A_49, %add3A_53 : vector<2000x1xf32>
    %rsqrt3A = math.rsqrt %add3A_54 : vector<2000x1xf32>
    %mul3A = vector.broadcast %rsqrt3A : vector<2000x1xf32> to vector<2000x128xf32>
    %mul3A_55 = arith.mulf %sub3A_51, %mul3A : vector<2000x128xf32>
    %mul3A_56 = vector.broadcast %get3A_35 : vector<1x128xf32> to vector<2000x128xf32>
    %mul3A_57 = arith.mulf %mul3A_55, %mul3A_56 : vector<2000x128xf32>
    %add3A_58 = vector.broadcast %get3A_38 : vector<1x128xf32> to vector<2000x128xf32>
    %add3A_59 = arith.addf %mul3A_57, %add3A_58 : vector<2000x128xf32>
    %max3A_60 = arith.constant 0.000000e+00 : f32
    %max3A_61 = vector.broadcast %max3A_60 : f32 to vector<2000x128xf32>
    %max3A_62 = arith.maximumf %add3A_59, %max3A_61 : vector<2000x128xf32>
    %get3A_63 = arith.constant 0 : index
    %get3A_64 = arith.constant 0 : index
    %get3A_65 = vector.load %arg3[%get3A_63, %get3A_64] : memref<2000x128xf32, #tpu.memory_space<vmem>>, vector<2000x128xf32>
    %add3A_66 = arith.addf %max3A_62, %get3A_65 : vector<2000x128xf32>
    %get3A_67 = arith.constant 0 : index
    %get3A_68 = arith.constant 0 : index
    %get3A_69 = vector.load %arg8[%get3A_67, %get3A_68] : memref<1x128xf32, #tpu.memory_space<vmem>>, vector<1x128xf32>
    %get3A_70 = arith.constant 0 : index
    %get3A_71 = arith.constant 0 : index
    %get3A_72 = vector.load %arg9[%get3A_70, %get3A_71] : memref<1x128xf32, #tpu.memory_space<vmem>>, vector<1x128xf32>
    %reduce_sum3A_73 = arith.constant dense<0.000000e+00> : vector<2000xf32>
    %reduce_sum3A_74 = vector.multi_reduction <add>, %add3A_66, %reduce_sum3A_73 [1] : vector<2000x128xf32> to vector<2000xf32>
    %broadcast_in_dim3A_75 = vector.shape_cast %reduce_sum3A_74 : vector<2000xf32> to vector<2000x1xf32>
    %div3A_76 = arith.constant 1.280000e+02 : f32
    %div3A_77 = vector.broadcast %div3A_76 : f32 to vector<2000x1xf32>
    %div3A_78 = arith.divf %broadcast_in_dim3A_75, %div3A_77 : vector<2000x1xf32>
    %sub3A_79 = vector.broadcast %div3A_78 : vector<2000x1xf32> to vector<2000x128xf32>
    %sub3A_80 = arith.subf %add3A_66, %sub3A_79 : vector<2000x128xf32>
    %integer_pow3A_81 = arith.mulf %sub3A_80, %sub3A_80 : vector<2000x128xf32>
    %reduce_sum3A_82 = arith.constant dense<0.000000e+00> : vector<2000xf32>
    %reduce_sum3A_83 = vector.multi_reduction <add>, %integer_pow3A_81, %reduce_sum3A_82 [1] : vector<2000x128xf32> to vector<2000xf32>
    %broadcast_in_dim3A_84 = vector.shape_cast %reduce_sum3A_83 : vector<2000xf32> to vector<2000x1xf32>
    %div3A_85 = arith.constant 1.280000e+02 : f32
    %div3A_86 = vector.broadcast %div3A_85 : f32 to vector<2000x1xf32>
    %div3A_87 = arith.divf %broadcast_in_dim3A_84, %div3A_86 : vector<2000x1xf32>
    %sub3A_88 = vector.broadcast %div3A_78 : vector<2000x1xf32> to vector<2000x128xf32>
    %sub3A_89 = arith.subf %add3A_66, %sub3A_88 : vector<2000x128xf32>
    %add3A_90 = arith.constant 9.99999974E-6 : f32
    %add3A_91 = vector.broadcast %add3A_90 : f32 to vector<2000x1xf32>
    %add3A_92 = arith.addf %div3A_87, %add3A_91 : vector<2000x1xf32>
    %rsqrt3A_93 = math.rsqrt %add3A_92 : vector<2000x1xf32>
    %mul3A_94 = vector.broadcast %rsqrt3A_93 : vector<2000x1xf32> to vector<2000x128xf32>
    %mul3A_95 = arith.mulf %sub3A_89, %mul3A_94 : vector<2000x128xf32>
    %mul3A_96 = vector.broadcast %get3A_69 : vector<1x128xf32> to vector<2000x128xf32>
    %mul3A_97 = arith.mulf %mul3A_95, %mul3A_96 : vector<2000x128xf32>
    %add3A_98 = vector.broadcast %get3A_72 : vector<1x128xf32> to vector<2000x128xf32>
    %add3A_99 = arith.addf %mul3A_97, %add3A_98 : vector<2000x128xf32>
    %get3A_100 = arith.constant 0 : index
    %get3A_101 = arith.constant 0 : index
    %get3A_102 = vector.load %arg10[%get3A_100, %get3A_101] : memref<128x256xf32, #tpu.memory_space<vmem>>, vector<128x256xf32>
    %dot_general3A_103 = arith.constant dense<0.000000e+00> : vector<2000x256xf32>
    %dot_general3A_104 = tpu.matmul %add3A_99, %get3A_102, %dot_general3A_103 {dimension_numbers = #tpu.dot_dimension_numbers<[1], [0], [0], [1], [0, 0, 1, 1], [], []>, transpose_lhs_hint = false} : vector<2000x128xf32>, vector<128x256xf32>, vector<2000x256xf32> -> vector<2000x256xf32>
    %get3A_105 = arith.constant 0 : index
    %get3A_106 = arith.constant 0 : index
    %get3A_107 = vector.load %arg11[%get3A_105, %get3A_106] : memref<1x256xf32, #tpu.memory_space<vmem>>, vector<1x256xf32>
    %add3A_108 = vector.broadcast %get3A_107 : vector<1x256xf32> to vector<2000x256xf32>
    %add3A_109 = arith.addf %dot_general3A_104, %add3A_108 : vector<2000x256xf32>
    %max3A_110 = arith.constant 0.000000e+00 : f32
    %max3A_111 = vector.broadcast %max3A_110 : f32 to vector<2000x256xf32>
    %max3A_112 = arith.maximumf %add3A_109, %max3A_111 : vector<2000x256xf32>
    %get3A_113 = arith.constant 0 : index
    %get3A_114 = arith.constant 0 : index
    %get3A_115 = vector.load %arg12[%get3A_113, %get3A_114] : memref<256x128xf32, #tpu.memory_space<vmem>>, vector<256x128xf32>
    %dot_general3A_116 = arith.constant dense<0.000000e+00> : vector<2000x128xf32>
    %dot_general3A_117 = tpu.matmul %max3A_112, %get3A_115, %dot_general3A_116 {dimension_numbers = #tpu.dot_dimension_numbers<[1], [0], [0], [1], [0, 0, 1, 1], [], []>, transpose_lhs_hint = false} : vector<2000x256xf32>, vector<256x128xf32>, vector<2000x128xf32> -> vector<2000x128xf32>
    %get3A_118 = arith.constant 0 : index
    %get3A_119 = arith.constant 0 : index
    %get3A_120 = vector.load %arg13[%get3A_118, %get3A_119] : memref<1x128xf32, #tpu.memory_space<vmem>>, vector<1x128xf32>
    %add3A_121 = vector.broadcast %get3A_120 : vector<1x128xf32> to vector<2000x128xf32>
    %add3A_122 = arith.addf %dot_general3A_117, %add3A_121 : vector<2000x128xf32>
    %add3A_123 = arith.addf %add3A_122, %add3A_66 : vector<2000x128xf32>
    %get3A_124 = arith.constant 0 : index
    %get3A_125 = arith.constant 0 : index
    %get3A_126 = vector.load %arg14[%get3A_124, %get3A_125] : memref<1x128xf32, #tpu.memory_space<vmem>>, vector<1x128xf32>
    %get3A_127 = arith.constant 0 : index
    %get3A_128 = arith.constant 0 : index
    %get3A_129 = vector.load %arg15[%get3A_127, %get3A_128] : memref<1x128xf32, #tpu.memory_space<vmem>>, vector<1x128xf32>
    %reduce_sum3A_130 = arith.constant dense<0.000000e+00> : vector<2000xf32>
    %reduce_sum3A_131 = vector.multi_reduction <add>, %add3A_123, %reduce_sum3A_130 [1] : vector<2000x128xf32> to vector<2000xf32>
    %broadcast_in_dim3A_132 = vector.shape_cast %reduce_sum3A_131 : vector<2000xf32> to vector<2000x1xf32>
    %div3A_133 = arith.constant 1.280000e+02 : f32
    %div3A_134 = vector.broadcast %div3A_133 : f32 to vector<2000x1xf32>
    %div3A_135 = arith.divf %broadcast_in_dim3A_132, %div3A_134 : vector<2000x1xf32>
    %sub3A_136 = vector.broadcast %div3A_135 : vector<2000x1xf32> to vector<2000x128xf32>
    %sub3A_137 = arith.subf %add3A_123, %sub3A_136 : vector<2000x128xf32>
    %integer_pow3A_138 = arith.mulf %sub3A_137, %sub3A_137 : vector<2000x128xf32>
    %reduce_sum3A_139 = arith.constant dense<0.000000e+00> : vector<2000xf32>
    %reduce_sum3A_140 = vector.multi_reduction <add>, %integer_pow3A_138, %reduce_sum3A_139 [1] : vector<2000x128xf32> to vector<2000xf32>
    %broadcast_in_dim3A_141 = vector.shape_cast %reduce_sum3A_140 : vector<2000xf32> to vector<2000x1xf32>
    %div3A_142 = arith.constant 1.280000e+02 : f32
    %div3A_143 = vector.broadcast %div3A_142 : f32 to vector<2000x1xf32>
    %div3A_144 = arith.divf %broadcast_in_dim3A_141, %div3A_143 : vector<2000x1xf32>
    %sub3A_145 = vector.broadcast %div3A_135 : vector<2000x1xf32> to vector<2000x128xf32>
    %sub3A_146 = arith.subf %add3A_123, %sub3A_145 : vector<2000x128xf32>
    %add3A_147 = arith.constant 9.99999974E-6 : f32
    %add3A_148 = vector.broadcast %add3A_147 : f32 to vector<2000x1xf32>
    %add3A_149 = arith.addf %div3A_144, %add3A_148 : vector<2000x1xf32>
    %rsqrt3A_150 = math.rsqrt %add3A_149 : vector<2000x1xf32>
    %mul3A_151 = vector.broadcast %rsqrt3A_150 : vector<2000x1xf32> to vector<2000x128xf32>
    %mul3A_152 = arith.mulf %sub3A_146, %mul3A_151 : vector<2000x128xf32>
    %mul3A_153 = vector.broadcast %get3A_126 : vector<1x128xf32> to vector<2000x128xf32>
    %mul3A_154 = arith.mulf %mul3A_152, %mul3A_153 : vector<2000x128xf32>
    %add3A_155 = vector.broadcast %get3A_129 : vector<1x128xf32> to vector<2000x128xf32>
    %add3A_156 = arith.addf %mul3A_154, %add3A_155 : vector<2000x128xf32>
    %swap3A = arith.constant 0 : index
    %swap3A_157 = arith.constant 0 : index
    %swap3A_158 = vector.load %arg16[%swap3A, %swap3A_157] : memref<2000x128xf32, #tpu.memory_space<vmem>>, vector<2000x128xf32>
    tpu.vector_store %arg16[%swap3A, %swap3A_157], %add3A_156 {strides = array<i32>} : memref<2000x128xf32, #tpu.memory_space<vmem>>, vector<2000x128xf32>,
    return
  }
  func.func @transform_0(%arg0: i32) -> (i32, i32, i32) {
    %c0_i32 = arith.constant 0 : i32
    %c0_i32_0 = arith.constant 0 : i32
    %c0_i32_1 = arith.constant 0 : i32
    return %c0_i32, %arg0, %c0_i32_0 : i32, i32, i32
  }
  func.func @transform_1(%arg0: i32) -> (i32, i32, i32) {
    %c0_i32 = arith.constant 0 : i32
    %c0_i32_0 = arith.constant 0 : i32
    %c0_i32_1 = arith.constant 0 : i32
    return %c0_i32, %arg0, %c0_i32_0 : i32, i32, i32
  }
  func.func @transform_2(%arg0: i32) -> (i32, i32) {
    %c0_i32 = arith.constant 0 : i32
    %c0_i32_0 = arith.constant 0 : i32
    return %arg0, %c0_i32 : i32, i32
  }
  func.func @transform_3(%arg0: i32) -> (i32, i32) {
    %c0_i32 = arith.constant 0 : i32
    %c0_i32_0 = arith.constant 0 : i32
    %c0_i32_1 = arith.constant 0 : i32
    return %c0_i32, %c0_i32_0 : i32, i32
  }
  func.func @transform_4(%arg0: i32) -> (i32, i32) {
    %c0_i32 = arith.constant 0 : i32
    %c0_i32_0 = arith.constant 0 : i32
    %c0_i32_1 = arith.constant 0 : i32
    return %c0_i32, %c0_i32_0 : i32, i32
  }
  func.func @transform_5(%arg0: i32) -> (i32, i32) {
    %c0_i32 = arith.constant 0 : i32
    %c0_i32_0 = arith.constant 0 : i32
    %c0_i32_1 = arith.constant 0 : i32
    return %c0_i32, %c0_i32_0 : i32, i32
  }
  func.func @transform_6(%arg0: i32) -> (i32, i32) {
    %c0_i32 = arith.constant 0 : i32
    %c0_i32_0 = arith.constant 0 : i32
    %c0_i32_1 = arith.constant 0 : i32
    return %c0_i32, %c0_i32_0 : i32, i32
  }
  func.func @transform_7(%arg0: i32) -> (i32, i32) {
    %c0_i32 = arith.constant 0 : i32
    %c0_i32_0 = arith.constant 0 : i32
    %c0_i32_1 = arith.constant 0 : i32
    return %c0_i32, %c0_i32_0 : i32, i32
  }
  func.func @transform_8(%arg0: i32) -> (i32, i32) {
    %c0_i32 = arith.constant 0 : i32
    %c0_i32_0 = arith.constant 0 : i32
    %c0_i32_1 = arith.constant 0 : i32
    return %c0_i32, %c0_i32_0 : i32, i32
  }
  func.func @transform_9(%arg0: i32) -> (i32, i32) {
    %c0_i32 = arith.constant 0 : i32
    %c0_i32_0 = arith.constant 0 : i32
    %c0_i32_1 = arith.constant 0 : i32
    return %c0_i32, %c0_i32_0 : i32, i32
  }
  func.func @transform_10(%arg0: i32) -> (i32, i32) {
    %c0_i32 = arith.constant 0 : i32
    %c0_i32_0 = arith.constant 0 : i32
    %c0_i32_1 = arith.constant 0 : i32
    return %c0_i32, %c0_i32_0 : i32, i32
  }
  func.func @transform_11(%arg0: i32) -> (i32, i32) {
    %c0_i32 = arith.constant 0 : i32
    %c0_i32_0 = arith.constant 0 : i32
    %c0_i32_1 = arith.constant 0 : i32
    return %c0_i32, %c0_i32_0 : i32, i32
  }
  func.func @transform_12(%arg0: i32) -> (i32, i32) {
    %c0_i32 = arith.constant 0 : i32
    %c0_i32_0 = arith.constant 0 : i32
    %c0_i32_1 = arith.constant 0 : i32
    return %c0_i32, %c0_i32_0 : i32, i32
  }
  func.func @transform_13(%arg0: i32) -> (i32, i32) {
    %c0_i32 = arith.constant 0 : i32
    %c0_i32_0 = arith.constant 0 : i32
    %c0_i32_1 = arith.constant 0 : i32
    return %c0_i32, %c0_i32_0 : i32, i32
  }
  func.func @transform_14(%arg0: i32) -> (i32, i32) {
    %c0_i32 = arith.constant 0 : i32
    %c0_i32_0 = arith.constant 0 : i32
    %c0_i32_1 = arith.constant 0 : i32
    return %c0_i32, %c0_i32_0 : i32, i32
  }
  func.func @transform_15(%arg0: i32) -> (i32, i32) {
    %c0_i32 = arith.constant 0 : i32
    %c0_i32_0 = arith.constant 0 : i32
    return %arg0, %c0_i32 : i32, i32
  }
}

</mosaic_0001>

<sc_bundles>
// kernel: kernel.4.cloned.1.call-start
scs
__scs_entry_jumppad:
0x0: {  	(pc) =	sbr.rel $0x88, $3  }
0x1: {  	(tag) =	ssettag $0x0;
	lr =	simm.s32 $0x1  }
0x2: {  	[smem:$0x3F93] =	sst lr;
	_ =	strace $0xD0000000  }
0x3: {  	_ = 	snop  }
0x4: {  	_ = 	snop  }
0x5: {  	_ = 	snop  }
0x6: {  	_ = 	snop  }
0x7: {  	_ = 	snop  }
__scs_overlays_trampoline_lowered:
0x8: {  	[smem:$0x3FA2] =	sst s0  }
0x9: {  	[smem:$0x3FA3] =	sst s1  }
0xa: {  	[smem:$0x3FA4] =	sst s2  }
0xb: {  	[smem:$0x3FA5] =	sst s3  }
0xc: {  	[smem:$0x3FA6] =	sst s4  }
0xd: {  	[smem:$0x3FA7] =	sst s5  }
0xe: {  	[smem:$0x3FA8] =	sst s6  }
0xf: {  	[smem:$0x3FA9] =	sst s7  }
0x10: {  	[smem:$0x3FAA] =	sst s8  }
0x11: {  	[smem:$0x3FAB] =	sst s9;
	s0 =	simm.s32 @!p0 $0x0  }
0x12: {  	s1 =	sld [smem:$0x3F91];
	s0 =	simm.s32 @p0 $0x1  }
0x13: {  	[smem:$0x3FAC] =	sst s0;
	s0 =	simm.s32 @!p1 $0x0  }
0x14: {  	s2 =	sld [smem:$0x3F90];
	s0 =	simm.s32 @p1 $0x1  }
0x15: {  	[smem:$0x3FAD] =	sst s0;
	s0 =	simm.s32 @!p2 $0x0  }
0x16: {  	s3 =	sld [smem:$0x3FDB];
	s0 =	simm.s32 @p2 $0x1  }
0x17: {  	s4 =	simm.s32 $0x1BF5;
	[smem:$0x3FAF] =	sst s0  }
0x18: {  	s0 =	sld [smem:$0x3F92];
	_ =	swait.ge [sflag:s4], $0x0  }
0x19: {  	s7 =	sld [smem:$0x3F93]  }
0x1a: {  	s8 =	sadd.s32 $0xFFFFE003, lr  }
0x1b: {  	s9 =	sadd.s32 $0xFFFFFEF7, lr;
	s5 =	simm.s32 $0xFFFFFFFF;
	p2 =	slt.u32 s8, $0xFFFFF086  }
0x1c: {  	p1 =	slt.u32 s9, $0xF7A;
	s5 =	simm.s32 @!p2 $0x0  }
0x1d: {  	s5 =	simm.s32 @p1 $0x1;
	p0 =	seq.s32 s7, s2  }
0x1e: {  	s7 =	smul.u32 @!p0 $0xF7A, s2;
	p2 =	seq.s32 @!p0 s5, $0x0  }
0x1f: {  	s9 =	smul.u32 $0xF7A, s1;
	s8 =	simm.s32 @!p0 $0x1BF5;
	p2 =	por !p2, p0  }
0x20: {  	[sflag:s8] =	ssyncset.s32 @!p0 $0xFFFFF086;
	s6 =	sadd.s32 @!p0 s3, s7;
	s7 =	simm.s32 @!p0 $0x108  }
0x21: {  	s3 =	sadd.s32 s3, s9;
	s6 =	sadd.s32 @!p0 $0x88, s6;
	s7 =	simm.s32 @p2 $0x1082  }
0x22: {  	[simem:s7], [sflag:s8] =	dma.local @!p0 [hbm:s6], $0xF7A  }
0x23: {  	s9 =	sor.u32 $0xD0000000, s2;
	s6 =	simm.s32 $0x108;
	_ =	swait.ge @!p0 [sflag:s8], $0x0  }
0x24: {  	s3 =	sadd.s32 $0x88, s3;
	s6 =	simm.s32 @!p1 $0x1082;
	[sflag:s4] =	ssyncset.s32 $0xFFFFF086  }
0x25: {  	[simem:s6], [sflag:s4] =	dma.local [hbm:s3], $0xF7A  }
0x26: {  	[smem:$0x3F93] =	sst s1;
	(tag) =	ssettag s2;
	_ =	strace s9  }
0x27: {  	s1 =	sld [smem:$0x3FA3]  }
0x28: {  	s2 =	sld [smem:$0x3FA4]  }
0x29: {  	s4 =	sld [smem:$0x3FA6]  }
0x2a: {  	p0 =	seq.s32 s5, $0x0;
	s5 =	sld [smem:$0x3FA7]  }
0x2b: {  	s6 =	sld [smem:$0x3FA8]  }
0x2c: {  	s7 =	sld [smem:$0x3FA9]  }
0x2d: {  	s3 =	simm.s32 $0x108;
	s8 =	sld [smem:$0x3FAA]  }
0x2e: {  	s3 =	simm.s32 @!p0 $0x1082;
	s9 =	sld [smem:$0x3FAB]  }
0x2f: {  	lr =	sadd.s32 s0, s3;
	s0 =	sld [smem:$0x3FA2]  }
0x30: {  	s3 =	sld [smem:$0x3FA5]  }
0x31: {  	[smem:$0x3FAE] =	sst s10  }
0x32: {  	s10 =	sld [smem:$0x3FAC];
	_ =	sdelay $0x3  }
0x33: {  	p0 =	seq.s32 s10, $0x1;
	s10 =	sld [smem:$0x3FAE];
	_ =	sdelay $0x3  }
0x34: {  	[smem:$0x3FAE] =	sst s10  }
0x35: {  	s10 =	sld [smem:$0x3FAD];
	_ =	sdelay $0x3  }
0x36: {  	p1 =	seq.s32 s10, $0x1;
	s10 =	sld [smem:$0x3FAE];
	_ =	sdelay $0x3  }
0x37: {  	[smem:$0x3FAE] =	sst s10  }
0x38: {  	s10 =	sld [smem:$0x3FAF]  }
0x39: {  	_ = 	snop;
	(pc) =	sbr.ind lr, $3  }
0x3a: {  	_ = 	snop  }
0x3b: {  	_ = 	snop  }
0x3c: {  	p2 =	seq.s32 s10, $0x1;
	s10 =	sld [smem:$0x3FAE]  }
0x3d: {  	_ =	shalt  }
0x3e: {  	_ =	shalt  }
0x3f: {  	_ =	shalt  }
0x40: {  	_ =	shalt  }
0x41: {  	_ =	shalt  }
0x42: {  	_ =	shalt  }
0x43: {  	_ =	shalt  }
0x44: {  	_ =	shalt  }
0x45: {  	_ =	shalt  }
0x46: {  	_ =	shalt  }
0x47: {  	_ =	shalt  }
0x48: {  	_ =	shalt  }
0x49: {  	_ =	shalt  }
0x4a: {  	_ =	shalt  }
0x4b: {  	_ =	shalt  }
0x4c: {  	_ =	shalt  }
0x4d: {  	_ =	shalt  }
0x4e: {  	_ =	shalt  }
0x4f: {  	_ =	shalt  }
0x50: {  	_ =	shalt  }
0x51: {  	_ =	shalt  }
0x52: {  	_ =	shalt  }
0x53: {  	_ =	shalt  }
0x54: {  	_ =	shalt  }
0x55: {  	_ =	shalt  }
0x56: {  	_ =	shalt  }
0x57: {  	_ =	shalt  }
0x58: {  	_ =	shalt  }
0x59: {  	_ =	shalt  }
0x5a: {  	_ =	shalt  }
0x5b: {  	_ =	shalt  }
0x5c: {  	_ =	shalt  }
0x5d: {  	_ =	shalt  }
0x5e: {  	_ =	shalt  }
0x5f: {  	_ =	shalt  }
0x60: {  	_ =	shalt  }
0x61: {  	_ =	shalt  }
0x62: {  	_ =	shalt  }
0x63: {  	_ =	shalt  }
0x64: {  	_ =	shalt  }
0x65: {  	_ =	shalt  }
0x66: {  	_ =	shalt  }
0x67: {  	_ =	shalt  }
0x68: {  	_ =	shalt  }
0x69: {  	_ =	shalt  }
0x6a: {  	_ =	shalt  }
0x6b: {  	_ =	shalt  }
0x6c: {  	_ =	shalt  }
0x6d: {  	_ =	shalt  }
0x6e: {  	_ =	shalt  }
0x6f: {  	_ =	shalt  }
0x70: {  	_ =	shalt  }
0x71: {  	_ =	shalt  }
0x72: {  	_ =	shalt  }
0x73: {  	_ =	shalt  }
0x74: {  	_ =	shalt  }
0x75: {  	_ =	shalt  }
0x76: {  	_ =	shalt  }
0x77: {  	_ =	shalt  }
0x78: {  	_ =	shalt  }
0x79: {  	_ =	shalt  }
0x7a: {  	_ =	shalt  }
0x7b: {  	_ =	shalt  }
0x7c: {  	_ =	shalt  }
0x7d: {  	_ =	shalt  }
0x7e: {  	_ =	shalt  }
0x7f: {  	_ =	shalt  }
0x80: {  	_ =	shalt  }
0x81: {  	_ =	shalt  }
0x82: {  	_ =	shalt  }
0x83: {  	_ =	shalt  }
0x84: {  	_ =	shalt  }
0x85: {  	_ =	shalt  }
0x86: {  	_ =	shalt  }
0x87: {  	_ =	shalt  }
.Lfunc_end0:
.L_simem_size_0:
called_computation_lowered:
.L_overlay_start_0:
0x88: {  	s2 =	sld [smem:$0x3FD9]  }
0x89: {  	s3 =	sld [smem:$0x3FFE];
	_ =	sdelay $0x1  }
0x8a: {  	s1 =	srdreg.scid  }
0x8b: {  	s0 =	sand.u32 $0x1, s1  }
0x8c: {  	s17 =	sshll.u32 s0, $0xA;
	s2 =	sadd.s32 s3, s2  }
0x8d: {  	s2 =	sadd.s32 s2, s17  }
0x8e: {  	[smem:$0x3FBA] =	sst s2  }
0x8f: {  	_ = 	snop  }
0x90: {  	s2 =	sld [smem:$0x3FD0];
	(tm) =	ssettm $0x1  }
0x91: {  	s18 =	sld [smem:$0x3FFB];
	_ =	sdelay $0x3  }
0x92: {  	_ =	strace s18  }
0x93: {  	s3 =	sld [smem:$0x3FFC];
	_ =	sdelay $0x3  }
0x94: {  	_ =	strace s3  }
0x95: {  	s3 =	sld [smem:$0x3FFD];
	_ =	sdelay $0x3  }
0x96: {  	_ =	strace s3  }
0x97: {  	_ =	strace $0x8FFFFFFF  }
0x98: {  	s19 =	sld [smem:$0x3FDB];
	_ =	sdelay $0x1  }
0x99: {  	s4 =	simm.s32 $_scs_section_size  }
0x9a: {  	s5 =	simm.s32 $_size__tile_overlayer_lowered;
	s6 =	simm.s32 $_tile_overlayer_lowered  }
0x9b: {  	s22 =	simm.s32 $0x1BFF;
	s21 =	sshll.u32 s6, $0x1;
	s3 =	sadd.s32 s4, s19  }
0x9c: {  	s7 =	simm.s32 $0x0;
	s20 =	sshll.u32 s5, $0x1;
	s5 =	sadd.s32 s21, s3  }
0x9d: {  	[timem:s7], [sflag:s22] =	dma.local [hbm:s5], s20  }
0x9e: {  	_ =	swait.ge [sflag:s22], s20  }
0x9f: {  	s4 =	ssub.s32 $0x0, s20;
	[sflag:s22] =	ssyncset.done $0x0  }
0xa0: {  	[sflag:s22] =	ssyncadd.s32 s4;
	_ =	sdelay $0x1  }
0xa1: {  	s23 =	simm.s32 $0x1B8B  }
0xa2: {  	_ =	swait.ge [sflag:s23], $0x1  }
0xa3: {  	[sflag:s23] =	ssyncset.done $0x0  }
0xa4: {  	s25 =	simm.s32 $0x1B8E;
	s24 =	sld [smem:$0x3FFE];
	[sflag:s23] =	ssyncadd.s32 $0xFFFFFFFF  }
0xa5: {  	s26 =	simm.s32 $execute0_lowered;
	[smem:$0x3FD2] =	sst s25  }
0xa6: {  	s5 =	sshll.u32 s26, $0x1;
	_ =	strace $0x80000046;
	[dreg:$0x1] =	wrdreg $0xFFFFFFFF  }
0xa7: {  	s28 =	simm.s32 $_size_execute0_lowered;
	s3 =	sadd.s32 s3, s5;
	[dreg:$0x0] =	wrdreg $0x0  }
0xa8: {  	s5 =	sshll.u32 s28, $0x1;
	[dreg:$0x2] =	wrdreg s3  }
0xa9: {  	[dreg:$0x3] =	wrdreg s5  }
0xaa: {  	[dreg:$0x4] =	wrdreg $0xC0  }
0xab: {  	_ =	task [dreg:s7], $0x5FFFF  }
0xac: {  	[dreg:$0x1] =	wrdreg $0xFFFFFFFF  }
0xad: {  	[dreg:$0x0] =	wrdreg $0x60  }
0xae: {  	[dreg:$0x2] =	wrdreg s24  }
0xaf: {  	[dreg:$0x3] =	wrdreg s2  }
0xb0: {  	[dreg:$0x4] =	wrdreg $0x109D00  }
0xb1: {  	[dreg:$0x5] =	wrdreg $0x1A9D00  }
0xb2: {  	[dreg:$0x6] =	wrdreg $0x9  }
0xb3: {  	_ =	task.clear_ibuf [dreg:s7], $0x7FFFF;
	_ =	strace $0x90000046  }
0xb4: {  	s29 =	simm.s32 $0x9;
	_ =	strace $0x80000048  }
0xb5: {  	_ =	swait.ge [sflag:s29], $0x1  }
0xb6: {  	[sflag:s29] =	ssyncadd.s32 $0xFFFFFFFF  }
0xb7: {  	_ =	strace $0x90000048  }
0xb8: {  	_ =	sfence  }
0xb9: {  	s30 =	sld [smem:$0x0];
	_ =	sdelay $0x2  }
0xba: {  	s31 =	sshll.u32 s1, $0xD;
	s1 =	sshrl.u32 s1, $0x2  }
0xbb: {  	s3 =	sand.u32 $0x4000, s31;
	s1 =	sadd.s32 s1, s30  }
0xbc: {  	s0 =	sor.u32 s3, s0;
	s1 =	sshll.u32 s1, $0x11  }
0xbd: {  	s0 =	sor.u32 s1, s0  }
0xbe: {  	s0 =	sadd.s32 $0x8F2B, s0  }
0xbf: {  	[sflag:s0] =	ssyncadd.remote.s32 $0x1  }
0xc0: {  	_ =	sfence.sel $0xFFFF  }
0xc1: {  	[dreg:$0x0] =	wrdreg $0xFFFFFFFF;
	(pc) =	sbr.abs _section_cstart, $3  }
0xc2: {  	[dreg:$0x1] =	wrdreg $0xFFFFFFFF  }
0xc3: {  	_ =	task.clear_ibuf [dreg:s7], $0x2FFFF;
	_ =	strace $0x9FFFFFFF  }
0xc4: {  	(tm) =	ssettm $0x7FFFFFFF  }
0xc5: {  	_ =	shalt  }
tec
execute0_lowered:
.L_overlay_start_1:
0x0: {  	(tag) =	ssettag $0x1  }
0x1: {  	s0 =	rddreg [dreg:$0x0]  }
0x2: {  	s1 =	rddreg [dreg:$0x1]  }
0x3: {  	s3 =	rddreg [dreg:$0x2]  }
0x4: {  	s4 =	rddreg [dreg:$0x3]  }
0x5: {  	s2 =	srdreg.scid;
	s11 =	stileid.u32;
	s5 =	simm.s32 $0x0  }
0x6: {  	s28 =	simm.s32 $0x7D;
	s29 =	simm.s32 $0x4;
	s30 =	simm.s32 $0x2  }
0x7: {  	s31 =	simm.s32 $0x3;
	s2 =	sand.u32 $0x1, s2;
	s7 =	smul.u32 $0x14000, s11  }
0x8: {  	[smem:$0x7FF] =	sst s5;
	s6 =	sadd.s32 $0x4000, s0;
	s9 =	smul.u32 $0x2800, s11  }
0x9: {  	s10 =	sadd.s32 $0x2C00, s0;
	s12 =	sadd.s32 $0x17C00, s0;
	s21 =	sadd.s32 $0x17A00, s0  }
0xa: {  	s11 =	sshll.u32 s11, $0x1;
	_ =	strace $0x80000047;
	[dreg:$0x5] =	wrdreg s10  }
0xb: {  	s15 =	sadd.s32 $0xA000, s1;
	s8 =	smul.u32 $0x140000, s2;
	[dreg:$0x6] =	wrdreg s12  }
0xc: {  	s20 =	smul.u32 $0x28000, s2;
	[dreg:$0x7] =	wrdreg s21;
	s13 =	ssub.s32 $0x2, s2  }
0xd: {  	s2 =	sor.u32 s2, s11;
	s23 =	sshrl.u32 s13, $0x1;
	s24 =	sadd.s32 s9, s4  }
0xe: {  	s8 =	sadd.s32 s7, s8;
	s10 =	sadd.s32 s9, s20;
	s7 =	sshrl.u32 s7, $0x1  }
0xf: {  	s11 =	ssub.s32 s13, s23;
	[dreg:$0x9] =	wrdreg s24;
	s23 =	simm.s32 $0x6  }
0x10: {  	s8 =	sshrl.u32 s8, $0x4;
	s22 =	sshrl.u32 s10, $0x3;
	s10 =	smul.u32 $0x500, s2  }
0x11: {  	s7 =	sadd.s32 s7, s3;
	s2 =	smul.u32 $0x2800, s2;
	s21 =	smax.u32 s11, $0x1  }
0x12: {  	s8 =	sadd.s32 s8, s0;
	s0 =	sadd.s32 s22, s0;
	[dreg:$0x8] =	wrdreg s7  }
.Ltmp0:
0x13: {  	s22 =	simm.s32 $0x10200;
	s25 =	sor.u32 $0x40, s10;
	(pc) =	sbr.rel .LBB2_1-.Ltmp0, $4  }
0x14: {  	s26 =	sadd.s32 s1, s10;
	s17 =	sor.u32 $0x200, s2;
	s18 =	sor.u32 $0x400, s2  }
0x15: {  	s19 =	sadd.s32 $0x18200, s8;
	s20 =	sadd.s32 $0x40200, s0;
	[dreg:$0xb] =	wrdreg s26  }
0x16: {  	s0 =	simm.s32 $0x5;
	[dreg:$0xa] =	wrdreg s25;
	s7 =	sadd.s32 s1, s25  }
0x17: {  	s2 =	simm.s32 $0x0;
	s26 =	simm.s32 $0x1;
	[dreg:$0xc] =	wrdreg s7  }
.LBB2_9:
0x18: {  	_ =	swait.ge [sflag:s30], $0x7D00  }
0x19: {  	[sflag:s30] =	ssyncset.done $0x0  }
0x1a: {  	[sflag:s30] =	ssyncadd.s32 $0xFFFF8300  }
0x1b: {  	_ =	swait.ge [sflag:s31], $0x7D0  }
0x1c: {  	[sflag:s31] =	ssyncset.done $0x0  }
0x1d: {  	[sflag:s31] =	ssyncadd.s32 $0xFFFFF830  }
0x1e: {  	_ =	swait.ge [sflag:s31], $0x7D0  }
0x1f: {  	[sflag:s31] =	ssyncset.done $0x0  }
0x20: {  	[sflag:s31] =	ssyncadd.s32 $0xFFFFF830  }
0x21: {  	_ =	swait.ge [sflag:s31], $0x7D0  }
0x22: {  	[sflag:s31] =	ssyncset.done $0x0  }
0x23: {  	[sflag:s31] =	ssyncadd.s32 $0xFFFFF830  }
0x24: {  	_ =	swait.ge [sflag:s31], $0x7D0  }
0x25: {  	[sflag:s31] =	ssyncset.done $0x0  }
0x26: {  	[sflag:s31] =	ssyncadd.s32 $0xFFFFF830  }
0x27: {  	[bflag:$0x0] =	sbarrier.arrive $0xFFFF  }
0x28: {  	[hbm:s19], [sflag:s24] =	dma.local [spmem:s25], $0x1400  }
0x29: {  	s2 =	sadd.s32 $0x1, s2;
	_ =	swait.ge [sflag:s23], $0x1400  }
0x2a: {  	p0 =	sne.s32 s2, s21;
	[sflag:s23] =	ssyncset.done $0x0  }
.Ltmp1:
0x2b: {  	[sflag:s23] =	ssyncadd.s32 $0xFFFFEC00;
	(pc) =	sbr.rel @!p0 .LBB2_10-.Ltmp1, $4  }
0x2c: {  	[hbm:s20], [sflag:s24] =	dma.local [spmem:s7], $0x500  }
0x2d: {  	_ =	swait.ge [sflag:s23], $0x500  }
0x2e: {  	[sflag:s23] =	ssyncset.done $0x0  }
0x2f: {  	[sflag:s23] =	ssyncadd.s32 $0xFFFFFB00  }
.LBB2_1:
0x30: {  	s7 =	rddreg [dreg:$0x7];
	s9 =	stileid.u32  }
0x31: {  	[tilespmem:s22], [sflag:$0x6] =	stream.linear.gather [hbm4b:s7+s5], $0x7D0, $0x38;
	[tilespmem:$0x1D1D0] =	vst v63  }
0x32: {  	s7 =	sshll.u32 s9, $0x6;
	_ =	swait.ge [sflag:s23], $0x7D0  }
0x33: {  	s24 =	sor.u32 $0x1C06, s7;
	[sflag:s23] =	ssyncset.done $0x0;
	s11 =	rddreg [dreg:$0x8]  }
0x34: {  	s12 =	rddreg [dreg:$0x5];
	[sflag:s23] =	ssyncadd.s32 $0xFFFFF830;
	s25 =	sshrl.u32 s11, $0x3  }
0x35: {  	[spmem:s25], [sflag:s24] =	dma.local [hbm:s12], $0x1400  }
0x36: {  	_ =	swait.ge [sflag:s23], $0x1400  }
0x37: {  	[sflag:s23] =	ssyncset.done $0x0;
	s13 =	rddreg [dreg:$0x9]  }
0x38: {  	s8 =	rddreg [dreg:$0x6];
	[sflag:s23] =	ssyncadd.s32 $0xFFFFEC00;
	s7 =	sshrl.u32 s13, $0x3  }
0x39: {  	[spmem:s7], [sflag:s24] =	dma.local [hbm:s8], $0x500  }
0x3a: {  	_ =	swait.ge [sflag:s23], $0x500  }
0x3b: {  	[sflag:s23] =	ssyncset.done $0x0  }
0x3c: {  	s14 =	rddreg [dreg:$0xb];
	[sflag:s23] =	ssyncadd.s32 $0xFFFFFB00  }
0x3d: {  	[tilespmem:s5], [sflag:$0x6] =	stream.linear.gather [hbm4b:s14+s5], $0x200, $0x38;
	[tilespmem:$0x1D1D0] =	vst v63  }
0x3e: {  	_ =	swait.ge [sflag:s23], $0x200  }
0x3f: {  	[sflag:s23] =	ssyncset.done $0x0  }
0x40: {  	s16 =	sadd.s32 s10, s15;
	s9 =	simm.s32 $0x400;
	[sflag:s23] =	ssyncadd.s32 $0xFFFFFE00  }
0x41: {  	[tilespmem:s9], [sflag:$0x6] =	stream.linear.gather [hbm4b:s16+s5], $0x200, $0x38;
	[tilespmem:$0x1D1D0] =	vst v63  }
0x42: {  	_ =	swait.ge [sflag:s23], $0x200  }
0x43: {  	[sflag:s23] =	ssyncset.done $0x0;
	s11 =	rddreg [dreg:$0xc]  }
0x44: {  	s12 =	simm.s32 $0x200;
	s13 =	rddreg [dreg:$0xa];
	[sflag:s23] =	ssyncadd.s32 $0xFFFFFE00  }
0x45: {  	[tilespmem:s12], [sflag:$0x4] =	stream.linear.gather [hbm4b:s11+s5], $0x200, $0x38;
	[tilespmem:$0x1D1D0] =	vst v63  }
0x46: {  	s14 =	simm.s32 $0x600;
	s8 =	sadd.s32 s13, s15  }
0x47: {  	[tilespmem:s14], [sflag:$0x5] =	stream.linear.gather [hbm4b:s8+s5], $0x200, $0x38;
	[tilespmem:$0x1D1D0] =	vst v63  }
0x48: {  	s16 =	simm.s32 $0x800;
	[bflag:$0x0] =	sbarrier.arrive $0xFFFF  }
0x49: {  	[tilespmem:s16], [sflag:$0x1] =	stream.indirect.gather [hbm4b:s6+s28], $0x40, s5, s28, $0xb8;
	[tilespmem:$0x1D1D0] =	vst v63  }
0x4a: {  	s9 =	simm.s32 $0x80;
	s11 =	simm.s32 $0x2740  }
0x4b: {  	[tilespmem:s11], [sflag:$0x1] =	stream.indirect.gather [hbm4b:s6+s28], $0x40, s9, s28, $0xb8;
	[tilespmem:$0x1D1D0] =	vst v63  }
.Ltmp2:
0x4c: {  	_ = 	snop;
	(pc) =	sbr.rel .LBB2_2-.Ltmp2, $4  }
0x4d: {  	s13 =	simm.s32 $0x4680;
	s12 =	simm.s32 $0x100  }
0x4e: {  	[tilespmem:s13], [sflag:$0x1] =	stream.indirect.gather [hbm4b:s6+s28], $0x40, s12, s28, $0xb8;
	[tilespmem:$0x1D1D0] =	vst v63  }
0x4f: {  	s14 =	simm.s32 $0x180;
	s8 =	simm.s32 $0x0;
	s16 =	simm.s32 $0x65C0  }
0x50: {  	[tilespmem:s16], [sflag:$0x1] =	stream.indirect.gather [hbm4b:s6+s28], $0x40, s14, s28, $0xb8;
	[tilespmem:$0x1D1D0] =	vst v63  }
.LBB2_5:
0x51: {  	p1 =	sgt.u32 s8, $0x11  }
0x52: {  	s12 =	sshll.u32 @!p1 s8, $0x9  }
0x53: {  	_ =	swait.ge [sflag:s29], $0x200;
	s13 =	smul.u32 $0x1F400, s11;
	s12 =	sadd.s32 @!p1 s12, s18  }
0x54: {  	[sflag:s29] =	ssyncset.done $0x0;
	s14 =	sshll.u32 @!p1 s9, $0x9;
	s12 =	sshrl.u32 @!p1 s12, $0x3  }
0x55: {  	s16 =	simm.s32 @!p1 $0x0;
	[sflag:s29] =	ssyncadd.s32 $0xFFFFFE00;
	s12 =	sadd.s32 @!p1 s1, s12  }
0x56: {  	[tilespmem:s14], [sflag:$0x4] =	stream.linear.gather @!p1 [hbm4b:s12+s16], $0x200, $0x38;
	[tilespmem:$0x1D1D0] =	vst v63  }
0x57: {  	s12 =	sshrl.u32 s13, $0x2  }
0x58: {  	s11 =	sshll.u32 s11, $0x9;
	s13 =	sadd.s32 $0x800, s12  }
0x59: {  	[tilespmem:s13], [sflag:$0x1] =	stream.indirect.gather [hbm4b:s6+s28], $0x40, s11, s28, $0xb8;
	[tilespmem:$0x1D1D0] =	vst v63  }
0x5a: {  	s16 =	sor.u32 $0x80, s11;
	s14 =	sadd.s32 $0x2740, s12  }
0x5b: {  	[tilespmem:s14], [sflag:$0x1] =	stream.indirect.gather [hbm4b:s6+s28], $0x40, s16, s28, $0xb8;
	[tilespmem:$0x1D1D0] =	vst v63  }
.Ltmp3:
0x5c: {  	_ = 	snop;
	(pc) =	sbr.rel @p0 .LBB2_6-.Ltmp3, $4  }
0x5d: {  	s14 =	sadd.s32 $0x4680, s12;
	s16 =	sor.u32 $0x100, s11  }
0x5e: {  	[tilespmem:s14], [sflag:$0x1] =	stream.indirect.gather [hbm4b:s6+s28], $0x40, s16, s28, $0xb8;
	[tilespmem:$0x1D1D0] =	vst v63  }
0x5f: {  	s12 =	sadd.s32 $0x65C0, s12;
	s11 =	sor.u32 $0x180, s11  }
0x60: {  	[tilespmem:s12], [sflag:$0x1] =	stream.indirect.gather [hbm4b:s6+s28], $0x40, s11, s28, $0xb8;
	[tilespmem:$0x1D1D0] =	vst v63  }
.LBB2_7:
0x61: {  	_ =	swait.ge [sflag:s0], $0x200  }
0x62: {  	[sflag:s0] =	ssyncset.done $0x0  }
0x63: {  	s8 =	sadd.s32 $0x1, s8;
	[sflag:s0] =	ssyncadd.s32 $0xFFFFFE00  }
.LBB2_8:
0x64: {  	s11 =	smul.u32 $0x1F400, s9;
	_ =	sdelay $0x1  }
0x65: {  	s9 =	sshll.u32 s9, $0x9;
	s11 =	sshrl.u32 s11, $0x2  }
0x66: {  	s13 =	sor.u32 $0x400, s9;
	s12 =	sadd.s32 $0x800, s11  }
0x67: {  	[spmem:s3] =	stream.indirect.scatter.add.bf16 [tilespmem:s12], [sflag:$0x2], $0x40, s13, s28, $0xb8;
	[tilespmem:$0x1D1D0] =	vst v63  }
0x68: {  	s14 =	sor.u32 $0x480, s9;
	s16 =	sadd.s32 $0x2740, s11  }
0x69: {  	[spmem:s3] =	stream.indirect.scatter.add.bf16 [tilespmem:s16], [sflag:$0x2], $0x40, s14, s28, $0xb8;
	[tilespmem:$0x1D1D0] =	vst v63  }
0x6a: {  	s12 =	sadd.s32 $0x4680, s11;
	s16 =	sor.u32 $0x500, s9  }
0x6b: {  	[spmem:s3] =	stream.indirect.scatter.add.bf16 [tilespmem:s12], [sflag:$0x2], $0x40, s16, s28, $0xb8;
	[tilespmem:$0x1D1D0] =	vst v63  }
0x6c: {  	s11 =	sadd.s32 $0x65C0, s11;
	s9 =	sor.u32 $0x580, s9  }
0x6d: {  	[spmem:s3] =	stream.indirect.scatter.add.bf16 [tilespmem:s11], [sflag:$0x2], $0x40, s9, s28, $0xb8;
	[tilespmem:$0x1D1D0] =	vst v63  }
0x6e: {  	_ = 	snop  }
0x6f: {  	[spmem:s4] =	stream.indirect.scatter.add.f32 [tilespmem:s22], [sflag:$0x3], $0x10, s13, s28, $0xb8;
	[tilespmem:$0x1D1D0] =	vst v63  }
0x70: {  	p0 =	slt.u32 s8, $0x14  }
0x71: {  	[spmem:s4] =	stream.indirect.scatter.add.f32 [tilespmem:s22], [sflag:$0x3], $0x10, s14, s28, $0xb8;
	[tilespmem:$0x1D1D0] =	vst v63  }
.Ltmp4:
0x72: {  	_ = 	snop;
	(pc) =	sbr.rel @!p0 .LBB2_9-.Ltmp4, $4  }
0x73: {  	_ = 	snop  }
0x74: {  	[spmem:s4] =	stream.indirect.scatter.add.f32 [tilespmem:s22], [sflag:$0x3], $0x10, s16, s28, $0xb8;
	[tilespmem:$0x1D1D0] =	vst v63  }
0x75: {  	_ = 	snop  }
0x76: {  	[spmem:s4] =	stream.indirect.scatter.add.f32 [tilespmem:s22], [sflag:$0x3], $0x10, s9, s28, $0xb8;
	[tilespmem:$0x1D1D0] =	vst v63  }
.LBB2_2:
0x77: {  	p0 =	seq.s32 s8, $0x0  }
.Ltmp5:
0x78: {  	_ = 	snop;
	(pc) =	sbr.rel @p0 .LBB2_5-.Ltmp5, $4  }
0x79: {  	_ = 	snop  }
0x7a: {  	_ =	swait.ge [sflag:s26], $0x7D00  }
0x7b: {  	s9 =	sand.u32 $0x1, s8;
	[sflag:s26] =	ssyncset.done $0x0  }
0x7c: {  	s11 =	sxor.u32 $0x1, s9;
	[sflag:s26] =	ssyncadd.s32 $0xFFFF8300  }
0x7d: {  	_ =	swait.ge [sflag:s30], $0x7D00  }
0x7e: {  	[sflag:s30] =	ssyncset.done $0x0  }
0x7f: {  	[sflag:s30] =	ssyncadd.s32 $0xFFFF8300  }
0x80: {  	_ =	swait.ge [sflag:s31], $0x7D0  }
0x81: {  	[sflag:s31] =	ssyncset.done $0x0  }
0x82: {  	[sflag:s31] =	ssyncadd.s32 $0xFFFFF830  }
0x83: {  	_ =	swait.ge [sflag:s31], $0x7D0  }
0x84: {  	[sflag:s31] =	ssyncset.done $0x0  }
0x85: {  	[sflag:s31] =	ssyncadd.s32 $0xFFFFF830  }
0x86: {  	p1 =	seq.s32 s8, $0x13;
	_ =	swait.ge [sflag:s31], $0x7D0  }
.Ltmp6:
0x87: {  	[sflag:s31] =	ssyncset.done $0x0;
	(pc) =	sbr.rel @p1 .LBB2_7-.Ltmp6, $4  }
0x88: {  	[sflag:s31] =	ssyncadd.s32 $0xFFFFF830  }
0x89: {  	_ =	swait.ge [sflag:s31], $0x7D0  }
0x8a: {  	[sflag:s31] =	ssyncset.done $0x0  }
0x8b: {  	[sflag:s31] =	ssyncadd.s32 $0xFFFFF830  }
.Ltmp7:
0x8c: {  	s12 =	sshll.u32 s8, $0x9;
	(pc) =	sbr.rel .LBB2_5-.Ltmp7, $4  }
0x8d: {  	s12 =	sadd.s32 s12, s17  }
0x8e: {  	s14 =	sshll.u32 s11, $0x9;
	s12 =	sshrl.u32 s12, $0x3  }
0x8f: {  	s14 =	sor.u32 $0x400, s14;
	s12 =	sadd.s32 s15, s12  }
0x90: {  	[tilespmem:s14], [sflag:$0x5] =	stream.linear.gather [hbm4b:s12+s5], $0x200, $0x38;
	[tilespmem:$0x1D1D0] =	vst v63  }
.LBB2_6:
.Ltmp8:
0x91: {  	(pc) =	sbr.rel .LBB2_8-.Ltmp8, $2  }
0x92: {  	_ =	sdelay $0x2  }
0x93: {  	s8 =	simm.s32 $0x1  }
.LBB2_10:
0x94: {  	_ =	sfence.sel $0x180000  }
0x95: {  	[bflag:$0x0] =	sbarrier.arrive $0xFFFF  }
0x96: {  	_ =	strace $0x90000047  }
0x97: {  	s0 =	stileid.u32;
	[bflag:$0x2] =	sbarrier.arrive $0xFFFF  }
0x98: {  	p0 =	sne.s32 s0, $0x0;
	s0 =	rddreg [dreg:$0x4]  }
0x99: {  	s0 =	sadd.s32 @!p0 $0x100000, s0  }
0x9a: {  	[sflag:s0] =	ssyncadd.tile.s32 @!p0 $0x1;
	_ =	shalt  }
.Lfunc_end2:
_tile_overlayer_lowered:
.L_overlay_start_2:
0x9b: {  	(tag) =	ssettag $0x2  }
0x9c: {  	s0 =	rddreg [dreg:$0x0];
	s2 =	stileid.u32  }
0x9d: {  	s1 =	rddreg [dreg:$0x1];
	p0 =	sne.s32 s2, $0x0  }
0x9e: {  	s3 =	rddreg [dreg:$0x2];
	[bflag:$0x3] =	sbarrier.arrive $0xFFFF;
	s2 =	simm.s32 @!p0 $0x1C06  }
0x9f: {  	[timem:s3], [sflag:s2] =	dma.local @!p0 [hbm:s0], s1  }
0xa0: {  	s0 =	simm.s32 @!p0 $0x6  }
0xa1: {  	_ =	swait.ge @!p0 [sflag:s0], s1  }
0xa2: {  	s1 =	ssub.s32 @!p0 $0x0, s1;
	[sflag:s0] =	ssyncset.done @!p0 $0x0  }
0xa3: {  	[sflag:s0] =	ssyncadd.s32 @!p0 s1  }
0xa4: {  	[bflag:$0x3] =	sbarrier.arrive $0xFFFF  }
0xa5: {  	_ =	shalt  }

</sc_bundles>
